<compile_context>
chip_gen: v7x
topology: tpu7x:2x2x1
jax: 0.10.2.dev20260603
libtpu: 0.0.44.dev20260713+nightly
codegen_flags: <defaults>
</compile_context>

<pallas_src>
import jax
import jax.numpy as jnp
from jax import lax
from jax.experimental import pallas as pl
from jax.experimental.pallas import tpu as pltpu
from jax.experimental.pallas import tpu_sc as plsc

BATCH = 512
FEATURE_NUM = 39
EMB = 8
VOCAB = 1000000
N_IDS = BATCH * FEATURE_NUM

NC = 2
NS = 16
NW = NC * NS
LANES = 16
PER_W = N_IDS // NW


_XC = 131072


def _extract_body(t_ref, *col_refs):
    x = t_ref[...]
    for e in range(EMB):
        col_refs[e][...] = x[e, :]


def _extract_cols(emb_table):
    grid = (VOCAB + _XC - 1) // _XC
    return pl.pallas_call(
        _extract_body,
        grid=(grid,),
        in_specs=[pl.BlockSpec((EMB, _XC), lambda i: (0, i))],
        out_shape=[jax.ShapeDtypeStruct((VOCAB,), jnp.float32)] * EMB,
        out_specs=[pl.BlockSpec((_XC,), lambda i: (i,))] * EMB,
    )(emb_table.T)


def _sc_gather_body(val_hbm, idx_hbm, c0, c1, c2, c3, c4, c5, c6, c7,
                    out_hbm, idx_v, cid_v, rows_v, sem):
    wid = lax.axis_index("s") * NC + lax.axis_index("c")
    base = wid * PER_W
    cols = (c0, c1, c2, c3, c4, c5, c6, c7)
    pltpu.sync_copy(idx_hbm.at[pl.ds(base, PER_W)], idx_v)
    pltpu.async_copy(val_hbm.at[idx_v], cid_v, sem).wait()
    copies = [pltpu.async_copy(cols[e].at[cid_v],
                               rows_v.at[pl.ds(e * PER_W, PER_W)], sem)
              for e in range(EMB)]
    for c in copies:
        c.wait()
    for e in range(EMB):
        pltpu.sync_copy(rows_v.at[pl.ds(e * PER_W, PER_W)],
                        out_hbm.at[pl.ds(e * N_IDS + base, PER_W)])


def _sc_gather(ft_sparse_val, ft_sparse_idx, emb_table):
    mesh = plsc.VectorSubcoreMesh(core_axis_name="c", subcore_axis_name="s")
    fn = pl.kernel(
        _sc_gather_body, mesh=mesh,
        out_type=jax.ShapeDtypeStruct((EMB * N_IDS,), jnp.float32),
        scratch_types=[
            pltpu.VMEM((PER_W,), jnp.int32),
            pltpu.VMEM((PER_W,), jnp.int32),
            pltpu.VMEM((EMB * PER_W,), jnp.float32),
            pltpu.SemaphoreType.DMA,
        ],
    )
    cols = _extract_cols(emb_table)
    return fn(ft_sparse_val, ft_sparse_idx, *cols)


def _mlp_body(x_ref, w0_ref, b0_ref, w1_ref, b1_ref, w2_ref, b2_ref, y_ref,
              logits_ref, predict_ref, loss_ref):
    x = x_ref[...]
    h = jnp.dot(x, w0_ref[...], preferred_element_type=jnp.float32)
    h = jnp.maximum(h + b0_ref[...], 0.0)
    h = jnp.dot(h, w1_ref[...], preferred_element_type=jnp.float32)
    h = jnp.maximum(h + b1_ref[...], 0.0)
    z = jnp.dot(h, w2_ref[...], preferred_element_type=jnp.float32) + b2_ref[...]
    logits_ref[...] = z
    predict_ref[...] = jax.nn.sigmoid(z)
    y = y_ref[...]
    loss_vec = jnp.maximum(z, 0.0) - z * y + jnp.log1p(jnp.exp(-jnp.abs(z)))
    loss_ref[0, 0] = jnp.sum(loss_vec) * (1.0 / BATCH)


def _mlp(x, W0, b0, W1, b1, W2, b2, labels):
    logits, predict, loss = pl.pallas_call(
        _mlp_body,
        out_shape=(
            jax.ShapeDtypeStruct((BATCH, 1), jnp.float32),
            jax.ShapeDtypeStruct((BATCH, 1), jnp.float32),
            jax.ShapeDtypeStruct((1, 1), jnp.float32),
        ),
        out_specs=(
            pl.BlockSpec(memory_space=pltpu.VMEM),
            pl.BlockSpec(memory_space=pltpu.VMEM),
            pl.BlockSpec(memory_space=pltpu.SMEM),
        ),
    )(x, W0, b0.reshape(1, -1), W1, b1.reshape(1, -1), W2,
      b2.reshape(1, 1), labels)
    return logits, predict, loss[0, 0]


def kernel(labels, ft_sparse_val, ft_sparse_idx, emb_table, W0, b0, W1, b1,
           W2, b2):
    out1d = _sc_gather(ft_sparse_val, ft_sparse_idx, emb_table)
    x = (out1d.reshape(EMB, BATCH, FEATURE_NUM).transpose(1, 2, 0)
         .reshape(BATCH, FEATURE_NUM * EMB))
    logits, predict, loss = _mlp(x, W0, b0, W1, b1, W2, b2, labels)
    size = jnp.array(emb_table.shape[0], dtype=jnp.int32)
    return (labels, logits, predict, loss, size)

# --- scband reference (transcript-rebuilt; emitter-appended) ---
"""Pipeline reference for scband-dnnmodel-75823352644075 (READ-ONLY COPY).

The authoritative reference and input builder live on the scoring server;
editing this copy changes nothing except your own understanding.
"""

import jax, jax.numpy as jnp
import numpy as np

BATCH = 512
DENSE_NUM = 13
SPARSE_NUM = 26
FEATURE_NUM = DENSE_NUM + SPARSE_NUM  # 39
EMB = 8
VOCAB = 1000000


def setup_inputs(seed: int = 0) -> dict:
    key = jax.random.key(seed)
    ks = jax.random.split(key, 12)
    labels = (jax.random.uniform(ks[0], (BATCH, 1), dtype=jnp.float32) > 0.5).astype(jnp.float32)
    n_ids = BATCH * FEATURE_NUM
    # unique hashed feature ids (dynamic_embedding keys); int32 stand-in for int64 hashes
    ft_sparse_val = jax.random.randint(ks[1], (n_ids,), 0, VOCAB, dtype=jnp.int32)
    # inverse indices mapping each (row, field) slot back into ft_sparse_val
    ft_sparse_idx = jax.random.randint(ks[2], (n_ids,), 0, n_ids, dtype=jnp.int32)
    # learned parameters
    emb_table = 0.005 * jax.random.normal(ks[3], (VOCAB, EMB), dtype=jnp.float32)
    W0 = 0.1 * jax.random.normal(ks[4], (FEATURE_NUM * EMB, 400), dtype=jnp.float32)
    b0 = 0.1 * jax.random.normal(ks[5], (400,), dtype=jnp.float32)
    W1 = 0.1 * jax.random.normal(ks[6], (400, 400), dtype=jnp.float32)
    b1 = 0.1 * jax.random.normal(ks[7], (400,), dtype=jnp.float32)
    W2 = 0.1 * jax.random.normal(ks[8], (400, 1), dtype=jnp.float32)
    b2 = 0.1 * jax.random.normal(ks[9], (1,), dtype=jnp.float32)
    return {"labels": labels, "ft_sparse_val": ft_sparse_val, "ft_sparse_idx": ft_sparse_idx,
            "emb_table": emb_table, "W0": W0, "b0": b0, "W1": W1, "b1": b1, "W2": W2, "b2": b2}


def reference(labels, ft_sparse_val, ft_sparse_idx, emb_table, W0, b0, W1, b1, W2, b2):
    # dynamic embedding lookup on unique ids (hashtable lookup -> dense gather)
    deep_sparse_weights = jnp.take(emb_table, ft_sparse_val, axis=0)  # [n_ids, EMB]
    # scatter back to per-slot embeddings via inverse indices
    deep_embedding = jnp.take(deep_sparse_weights, ft_sparse_idx, axis=0)  # [B*39, EMB]
    deep_embedding = deep_embedding.reshape(BATCH, FEATURE_NUM * EMB)  # [512, 312]
    dnn = jax.nn.relu(deep_embedding @ W0 + b0)
    dnn = jax.nn.relu(dnn @ W1 + b1)
    logits = dnn @ W2 + b2  # [512, 1]
    predict = jax.nn.sigmoid(logits)
    z = logits.reshape(-1)
    y = labels.reshape(-1)
    # tf.nn.sigmoid_cross_entropy_with_logits, numerically stable form
    loss = jnp.mean(jnp.maximum(z, 0.0) - z * y + jnp.log1p(jnp.exp(-jnp.abs(z))))
    size = jnp.array(emb_table.shape[0], dtype=jnp.int32)
    return (labels, logits, predict, loss, size)

if __name__ == "__main__":
    import jax
    _d = setup_inputs()
    print(jax.jit(kernel)(*tuple(_d.values())))

</pallas_src>

<mosaic_0001>
#map = affine_map<(d0, d1) -> (0)>
module attributes {stable_mosaic.version = 14 : i64} {
  func.func @_sc_gather_body(%arg0: i32, %arg1: i32, %arg2: memref<19968xi32, #tpu.memory_space<hbm>>, %arg3: memref<19968xi32, #tpu.memory_space<hbm>>, %arg4: memref<1000000xf32, #tpu.memory_space<hbm>>, %arg5: memref<1000000xf32, #tpu.memory_space<hbm>>, %arg6: memref<1000000xf32, #tpu.memory_space<hbm>>, %arg7: memref<1000000xf32, #tpu.memory_space<hbm>>, %arg8: memref<1000000xf32, #tpu.memory_space<hbm>>, %arg9: memref<1000000xf32, #tpu.memory_space<hbm>>, %arg10: memref<1000000xf32, #tpu.memory_space<hbm>>, %arg11: memref<1000000xf32, #tpu.memory_space<hbm>>, %arg12: memref<159744xf32, #tpu.memory_space<hbm>>, %arg13: memref<624xi32, #tpu.memory_space<vmem>>, %arg14: memref<624xi32, #tpu.memory_space<vmem>>, %arg15: memref<4992xf32, #tpu.memory_space<vmem>>, %arg16: memref<!tpu.dma_semaphore, #tpu.memory_space<semaphore_mem>>) attributes {dimension_semantics = [#tpu.dimension_semantics<core_parallel>, #tpu.dimension_semantics<subcore_parallel>], iteration_bounds = array<i64: 2, 16>, scalar_prefetch = 0 : i64, scratch_operands = 4 : i64, tpu.core_type = #tpu.core_type<sc_vector_subcore>, window_params = [{transform_indices = #map}, {transform_indices = #map}, {transform_indices = #map}, {transform_indices = #map}, {transform_indices = #map}, {transform_indices = #map}, {transform_indices = #map}, {transform_indices = #map}, {transform_indices = #map}, {transform_indices = #map}, {transform_indices = #map}]} {
    %mul3A = arith.constant 2 : i32
    %mul3A_0 = arith.muli %arg1, %mul3A : i32
    %add3A = arith.addi %mul3A_0, %arg0 : i32
    %mul3A_1 = arith.constant 624 : i32
    %mul3A_2 = arith.muli %add3A, %mul3A_1 : i32
    "tpu.region"() ({
      %run_scoped3A = tpu.sem_alloc : memref<!tpu.dma_semaphore, #tpu.memory_space<semaphore_mem>>
      %dma_start3A_85 = tpu.memref_slice %arg3[%mul3A_2] : memref<19968xi32, #tpu.memory_space<hbm>> -> memref<624xi32, #tpu.memory_space<hbm>>
      %dma_start3A_86 = tpu.memref_slice %arg3[%mul3A_2] : memref<19968xi32, #tpu.memory_space<hbm>> -> memref<624xi32, #tpu.memory_space<hbm>>
      tpu.enqueue_dma source(%dma_start3A_86 : memref<624xi32, #tpu.memory_space<hbm>>) target(%arg13 : memref<624xi32, #tpu.memory_space<vmem>>) target_semaphore(%run_scoped3A : memref<!tpu.dma_semaphore, #tpu.memory_space<semaphore_mem>>)
      %dma_wait3A_87 = tpu.memref_slice %arg3[%mul3A_2] : memref<19968xi32, #tpu.memory_space<hbm>> -> memref<624xi32, #tpu.memory_space<hbm>>
      %dma_wait3A_88 = tpu.memref_slice %arg3[%mul3A_2] : memref<19968xi32, #tpu.memory_space<hbm>> -> memref<624xi32, #tpu.memory_space<hbm>>
      tpu.wait_dma2 semaphore(%run_scoped3A : memref<!tpu.dma_semaphore, #tpu.memory_space<semaphore_mem>>) src(%dma_wait3A_88 : memref<624xi32, #tpu.memory_space<hbm>>) dst(%arg13 : memref<624xi32, #tpu.memory_space<vmem>>)
      tpu.yield
    }) : () -> ()
    %dma_start3A = arith.constant 0 : i32
    %dma_start3A_3 = tpu.memref_slice %arg2[%dma_start3A] : memref<19968xi32, #tpu.memory_space<hbm>> -> memref<19968xi32, #tpu.memory_space<hbm>>
    tpu.enqueue_indirect_dma source(%dma_start3A_3 : memref<19968xi32, #tpu.memory_space<hbm>>) target(%arg14 : memref<624xi32, #tpu.memory_space<vmem>>) offsets(%arg13 : memref<624xi32, #tpu.memory_space<vmem>>) semaphore(%arg16 : memref<!tpu.dma_semaphore, #tpu.memory_space<semaphore_mem>>)
    %dma_wait3A = arith.constant 0 : i32
    %dma_wait3A_4 = tpu.memref_slice %arg2[%dma_wait3A] : memref<19968xi32, #tpu.memory_space<hbm>> -> memref<19968xi32, #tpu.memory_space<hbm>>
    tpu.wait_indirect_dma semaphore(%arg16 : memref<!tpu.dma_semaphore, #tpu.memory_space<semaphore_mem>>) src(%dma_wait3A_4 : memref<19968xi32, #tpu.memory_space<hbm>>) dst(%arg14 : memref<624xi32, #tpu.memory_space<vmem>>)
    %dma_start3A_5 = arith.constant 0 : i32
    %dma_start3A_6 = tpu.memref_slice %arg15[%dma_start3A_5] : memref<4992xf32, #tpu.memory_space<vmem>> -> memref<624xf32, #tpu.memory_space<vmem>>
    %dma_start3A_7 = arith.constant 0 : i32
    %dma_start3A_8 = tpu.memref_slice %arg4[%dma_start3A_7] : memref<1000000xf32, #tpu.memory_space<hbm>> -> memref<1000000xf32, #tpu.memory_space<hbm>>
    tpu.enqueue_indirect_dma source(%dma_start3A_8 : memref<1000000xf32, #tpu.memory_space<hbm>>) target(%dma_start3A_6 : memref<624xf32, #tpu.memory_space<vmem>>) offsets(%arg14 : memref<624xi32, #tpu.memory_space<vmem>>) semaphore(%arg16 : memref<!tpu.dma_semaphore, #tpu.memory_space<semaphore_mem>>)
    %dma_start3A_9 = arith.constant 624 : i32
    %dma_start3A_10 = tpu.memref_slice %arg15[%dma_start3A_9] : memref<4992xf32, #tpu.memory_space<vmem>> -> memref<624xf32, #tpu.memory_space<vmem>>
    %dma_start3A_11 = arith.constant 0 : i32
    %dma_start3A_12 = tpu.memref_slice %arg5[%dma_start3A_11] : memref<1000000xf32, #tpu.memory_space<hbm>> -> memref<1000000xf32, #tpu.memory_space<hbm>>
    tpu.enqueue_indirect_dma source(%dma_start3A_12 : memref<1000000xf32, #tpu.memory_space<hbm>>) target(%dma_start3A_10 : memref<624xf32, #tpu.memory_space<vmem>>) offsets(%arg14 : memref<624xi32, #tpu.memory_space<vmem>>) semaphore(%arg16 : memref<!tpu.dma_semaphore, #tpu.memory_space<semaphore_mem>>)
    %dma_start3A_13 = arith.constant 1248 : i32
    %dma_start3A_14 = tpu.memref_slice %arg15[%dma_start3A_13] : memref<4992xf32, #tpu.memory_space<vmem>> -> memref<624xf32, #tpu.memory_space<vmem>>
    %dma_start3A_15 = arith.constant 0 : i32
    %dma_start3A_16 = tpu.memref_slice %arg6[%dma_start3A_15] : memref<1000000xf32, #tpu.memory_space<hbm>> -> memref<1000000xf32, #tpu.memory_space<hbm>>
    tpu.enqueue_indirect_dma source(%dma_start3A_16 : memref<1000000xf32, #tpu.memory_space<hbm>>) target(%dma_start3A_14 : memref<624xf32, #tpu.memory_space<vmem>>) offsets(%arg14 : memref<624xi32, #tpu.memory_space<vmem>>) semaphore(%arg16 : memref<!tpu.dma_semaphore, #tpu.memory_space<semaphore_mem>>)
    %dma_start3A_17 = arith.constant 1872 : i32
    %dma_start3A_18 = tpu.memref_slice %arg15[%dma_start3A_17] : memref<4992xf32, #tpu.memory_space<vmem>> -> memref<624xf32, #tpu.memory_space<vmem>>
    %dma_start3A_19 = arith.constant 0 : i32
    %dma_start3A_20 = tpu.memref_slice %arg7[%dma_start3A_19] : memref<1000000xf32, #tpu.memory_space<hbm>> -> memref<1000000xf32, #tpu.memory_space<hbm>>
    tpu.enqueue_indirect_dma source(%dma_start3A_20 : memref<1000000xf32, #tpu.memory_space<hbm>>) target(%dma_start3A_18 : memref<624xf32, #tpu.memory_space<vmem>>) offsets(%arg14 : memref<624xi32, #tpu.memory_space<vmem>>) semaphore(%arg16 : memref<!tpu.dma_semaphore, #tpu.memory_space<semaphore_mem>>)
    %dma_start3A_21 = arith.constant 2496 : i32
    %dma_start3A_22 = tpu.memref_slice %arg15[%dma_start3A_21] : memref<4992xf32, #tpu.memory_space<vmem>> -> memref<624xf32, #tpu.memory_space<vmem>>
    %dma_start3A_23 = arith.constant 0 : i32
    %dma_start3A_24 = tpu.memref_slice %arg8[%dma_start3A_23] : memref<1000000xf32, #tpu.memory_space<hbm>> -> memref<1000000xf32, #tpu.memory_space<hbm>>
    tpu.enqueue_indirect_dma source(%dma_start3A_24 : memref<1000000xf32, #tpu.memory_space<hbm>>) target(%dma_start3A_22 : memref<624xf32, #tpu.memory_space<vmem>>) offsets(%arg14 : memref<624xi32, #tpu.memory_space<vmem>>) semaphore(%arg16 : memref<!tpu.dma_semaphore, #tpu.memory_space<semaphore_mem>>)
    %dma_start3A_25 = arith.constant 3120 : i32
    %dma_start3A_26 = tpu.memref_slice %arg15[%dma_start3A_25] : memref<4992xf32, #tpu.memory_space<vmem>> -> memref<624xf32, #tpu.memory_space<vmem>>
    %dma_start3A_27 = arith.constant 0 : i32
    %dma_start3A_28 = tpu.memref_slice %arg9[%dma_start3A_27] : memref<1000000xf32, #tpu.memory_space<hbm>> -> memref<1000000xf32, #tpu.memory_space<hbm>>
    tpu.enqueue_indirect_dma source(%dma_start3A_28 : memref<1000000xf32, #tpu.memory_space<hbm>>) target(%dma_start3A_26 : memref<624xf32, #tpu.memory_space<vmem>>) offsets(%arg14 : memref<624xi32, #tpu.memory_space<vmem>>) semaphore(%arg16 : memref<!tpu.dma_semaphore, #tpu.memory_space<semaphore_mem>>)
    %dma_start3A_29 = arith.constant 3744 : i32
    %dma_start3A_30 = tpu.memref_slice %arg15[%dma_start3A_29] : memref<4992xf32, #tpu.memory_space<vmem>> -> memref<624xf32, #tpu.memory_space<vmem>>
    %dma_start3A_31 = arith.constant 0 : i32
    %dma_start3A_32 = tpu.memref_slice %arg10[%dma_start3A_31] : memref<1000000xf32, #tpu.memory_space<hbm>> -> memref<1000000xf32, #tpu.memory_space<hbm>>
    tpu.enqueue_indirect_dma source(%dma_start3A_32 : memref<1000000xf32, #tpu.memory_space<hbm>>) target(%dma_start3A_30 : memref<624xf32, #tpu.memory_space<vmem>>) offsets(%arg14 : memref<624xi32, #tpu.memory_space<vmem>>) semaphore(%arg16 : memref<!tpu.dma_semaphore, #tpu.memory_space<semaphore_mem>>)
    %dma_start3A_33 = arith.constant 4368 : i32
    %dma_start3A_34 = tpu.memref_slice %arg15[%dma_start3A_33] : memref<4992xf32, #tpu.memory_space<vmem>> -> memref<624xf32, #tpu.memory_space<vmem>>
    %dma_start3A_35 = arith.constant 0 : i32
    %dma_start3A_36 = tpu.memref_slice %arg11[%dma_start3A_35] : memref<1000000xf32, #tpu.memory_space<hbm>> -> memref<1000000xf32, #tpu.memory_space<hbm>>
    tpu.enqueue_indirect_dma source(%dma_start3A_36 : memref<1000000xf32, #tpu.memory_space<hbm>>) target(%dma_start3A_34 : memref<624xf32, #tpu.memory_space<vmem>>) offsets(%arg14 : memref<624xi32, #tpu.memory_space<vmem>>) semaphore(%arg16 : memref<!tpu.dma_semaphore, #tpu.memory_space<semaphore_mem>>)
    %dma_wait3A_37 = arith.constant 0 : i32
    %dma_wait3A_38 = tpu.memref_slice %arg15[%dma_wait3A_37] : memref<4992xf32, #tpu.memory_space<vmem>> -> memref<624xf32, #tpu.memory_space<vmem>>
    %dma_wait3A_39 = arith.constant 0 : i32
    %dma_wait3A_40 = tpu.memref_slice %arg4[%dma_wait3A_39] : memref<1000000xf32, #tpu.memory_space<hbm>> -> memref<1000000xf32, #tpu.memory_space<hbm>>
    tpu.wait_indirect_dma semaphore(%arg16 : memref<!tpu.dma_semaphore, #tpu.memory_space<semaphore_mem>>) src(%dma_wait3A_40 : memref<1000000xf32, #tpu.memory_space<hbm>>) dst(%dma_wait3A_38 : memref<624xf32, #tpu.memory_space<vmem>>)
    %dma_wait3A_41 = arith.constant 624 : i32
    %dma_wait3A_42 = tpu.memref_slice %arg15[%dma_wait3A_41] : memref<4992xf32, #tpu.memory_space<vmem>> -> memref<624xf32, #tpu.memory_space<vmem>>
    %dma_wait3A_43 = arith.constant 0 : i32
    %dma_wait3A_44 = tpu.memref_slice %arg5[%dma_wait3A_43] : memref<1000000xf32, #tpu.memory_space<hbm>> -> memref<1000000xf32, #tpu.memory_space<hbm>>
    tpu.wait_indirect_dma semaphore(%arg16 : memref<!tpu.dma_semaphore, #tpu.memory_space<semaphore_mem>>) src(%dma_wait3A_44 : memref<1000000xf32, #tpu.memory_space<hbm>>) dst(%dma_wait3A_42 : memref<624xf32, #tpu.memory_space<vmem>>)
    %dma_wait3A_45 = arith.constant 1248 : i32
    %dma_wait3A_46 = tpu.memref_slice %arg15[%dma_wait3A_45] : memref<4992xf32, #tpu.memory_space<vmem>> -> memref<624xf32, #tpu.memory_space<vmem>>
    %dma_wait3A_47 = arith.constant 0 : i32
    %dma_wait3A_48 = tpu.memref_slice %arg6[%dma_wait3A_47] : memref<1000000xf32, #tpu.memory_space<hbm>> -> memref<1000000xf32, #tpu.memory_space<hbm>>
    tpu.wait_indirect_dma semaphore(%arg16 : memref<!tpu.dma_semaphore, #tpu.memory_space<semaphore_mem>>) src(%dma_wait3A_48 : memref<1000000xf32, #tpu.memory_space<hbm>>) dst(%dma_wait3A_46 : memref<624xf32, #tpu.memory_space<vmem>>)
    %dma_wait3A_49 = arith.constant 1872 : i32
    %dma_wait3A_50 = tpu.memref_slice %arg15[%dma_wait3A_49] : memref<4992xf32, #tpu.memory_space<vmem>> -> memref<624xf32, #tpu.memory_space<vmem>>
    %dma_wait3A_51 = arith.constant 0 : i32
    %dma_wait3A_52 = tpu.memref_slice %arg7[%dma_wait3A_51] : memref<1000000xf32, #tpu.memory_space<hbm>> -> memref<1000000xf32, #tpu.memory_space<hbm>>
    tpu.wait_indirect_dma semaphore(%arg16 : memref<!tpu.dma_semaphore, #tpu.memory_space<semaphore_mem>>) src(%dma_wait3A_52 : memref<1000000xf32, #tpu.memory_space<hbm>>) dst(%dma_wait3A_50 : memref<624xf32, #tpu.memory_space<vmem>>)
    %dma_wait3A_53 = arith.constant 2496 : i32
    %dma_wait3A_54 = tpu.memref_slice %arg15[%dma_wait3A_53] : memref<4992xf32, #tpu.memory_space<vmem>> -> memref<624xf32, #tpu.memory_space<vmem>>
    %dma_wait3A_55 = arith.constant 0 : i32
    %dma_wait3A_56 = tpu.memref_slice %arg8[%dma_wait3A_55] : memref<1000000xf32, #tpu.memory_space<hbm>> -> memref<1000000xf32, #tpu.memory_space<hbm>>
    tpu.wait_indirect_dma semaphore(%arg16 : memref<!tpu.dma_semaphore, #tpu.memory_space<semaphore_mem>>) src(%dma_wait3A_56 : memref<1000000xf32, #tpu.memory_space<hbm>>) dst(%dma_wait3A_54 : memref<624xf32, #tpu.memory_space<vmem>>)
    %dma_wait3A_57 = arith.constant 3120 : i32
    %dma_wait3A_58 = tpu.memref_slice %arg15[%dma_wait3A_57] : memref<4992xf32, #tpu.memory_space<vmem>> -> memref<624xf32, #tpu.memory_space<vmem>>
    %dma_wait3A_59 = arith.constant 0 : i32
    %dma_wait3A_60 = tpu.memref_slice %arg9[%dma_wait3A_59] : memref<1000000xf32, #tpu.memory_space<hbm>> -> memref<1000000xf32, #tpu.memory_space<hbm>>
    tpu.wait_indirect_dma semaphore(%arg16 : memref<!tpu.dma_semaphore, #tpu.memory_space<semaphore_mem>>) src(%dma_wait3A_60 : memref<1000000xf32, #tpu.memory_space<hbm>>) dst(%dma_wait3A_58 : memref<624xf32, #tpu.memory_space<vmem>>)
    %dma_wait3A_61 = arith.constant 3744 : i32
    %dma_wait3A_62 = tpu.memref_slice %arg15[%dma_wait3A_61] : memref<4992xf32, #tpu.memory_space<vmem>> -> memref<624xf32, #tpu.memory_space<vmem>>
    %dma_wait3A_63 = arith.constant 0 : i32
    %dma_wait3A_64 = tpu.memref_slice %arg10[%dma_wait3A_63] : memref<1000000xf32, #tpu.memory_space<hbm>> -> memref<1000000xf32, #tpu.memory_space<hbm>>
    tpu.wait_indirect_dma semaphore(%arg16 : memref<!tpu.dma_semaphore, #tpu.memory_space<semaphore_mem>>) src(%dma_wait3A_64 : memref<1000000xf32, #tpu.memory_space<hbm>>) dst(%dma_wait3A_62 : memref<624xf32, #tpu.memory_space<vmem>>)
    %dma_wait3A_65 = arith.constant 4368 : i32
    %dma_wait3A_66 = tpu.memref_slice %arg15[%dma_wait3A_65] : memref<4992xf32, #tpu.memory_space<vmem>> -> memref<624xf32, #tpu.memory_space<vmem>>
    %dma_wait3A_67 = arith.constant 0 : i32
    %dma_wait3A_68 = tpu.memref_slice %arg11[%dma_wait3A_67] : memref<1000000xf32, #tpu.memory_space<hbm>> -> memref<1000000xf32, #tpu.memory_space<hbm>>
    tpu.wait_indirect_dma semaphore(%arg16 : memref<!tpu.dma_semaphore, #tpu.memory_space<semaphore_mem>>) src(%dma_wait3A_68 : memref<1000000xf32, #tpu.memory_space<hbm>>) dst(%dma_wait3A_66 : memref<624xf32, #tpu.memory_space<vmem>>)
    %add3A_69 = arith.constant 0 : i32
    %add3A_70 = arith.addi %add3A_69, %mul3A_2 : i32
    "tpu.region"() ({
      %run_scoped3A = tpu.sem_alloc : memref<!tpu.dma_semaphore, #tpu.memory_space<semaphore_mem>>
      %dma_start3A_85 = arith.constant 0 : i32
      %dma_start3A_86 = tpu.memref_slice %arg15[%dma_start3A_85] : memref<4992xf32, #tpu.memory_space<vmem>> -> memref<624xf32, #tpu.memory_space<vmem>>
      %dma_start3A_87 = tpu.memref_slice %arg12[%add3A_70] : memref<159744xf32, #tpu.memory_space<hbm>> -> memref<624xf32, #tpu.memory_space<hbm>>
      %dma_start3A_88 = tpu.memref_slice %arg12[%add3A_70] : memref<159744xf32, #tpu.memory_space<hbm>> -> memref<624xf32, #tpu.memory_space<hbm>>
      %dma_start3A_89 = arith.constant 0 : i32
      %dma_start3A_90 = tpu.memref_slice %arg15[%dma_start3A_89] : memref<4992xf32, #tpu.memory_space<vmem>> -> memref<624xf32, #tpu.memory_space<vmem>>
      tpu.enqueue_dma source(%dma_start3A_90 : memref<624xf32, #tpu.memory_space<vmem>>) target(%dma_start3A_88 : memref<624xf32, #tpu.memory_space<hbm>>) target_semaphore(%run_scoped3A : memref<!tpu.dma_semaphore, #tpu.memory_space<semaphore_mem>>)
      %dma_wait3A_91 = arith.constant 0 : i32
      %dma_wait3A_92 = tpu.memref_slice %arg15[%dma_wait3A_91] : memref<4992xf32, #tpu.memory_space<vmem>> -> memref<624xf32, #tpu.memory_space<vmem>>
      %dma_wait3A_93 = tpu.memref_slice %arg12[%add3A_70] : memref<159744xf32, #tpu.memory_space<hbm>> -> memref<624xf32, #tpu.memory_space<hbm>>
      %dma_wait3A_94 = tpu.memref_slice %arg12[%add3A_70] : memref<159744xf32, #tpu.memory_space<hbm>> -> memref<624xf32, #tpu.memory_space<hbm>>
      %dma_wait3A_95 = arith.constant 0 : i32
      %dma_wait3A_96 = tpu.memref_slice %arg15[%dma_wait3A_95] : memref<4992xf32, #tpu.memory_space<vmem>> -> memref<624xf32, #tpu.memory_space<vmem>>
      tpu.wait_dma2 semaphore(%run_scoped3A : memref<!tpu.dma_semaphore, #tpu.memory_space<semaphore_mem>>) src(%dma_wait3A_96 : memref<624xf32, #tpu.memory_space<vmem>>) dst(%dma_wait3A_94 : memref<624xf32, #tpu.memory_space<hbm>>)
      tpu.yield
    }) : () -> ()
    %add3A_71 = arith.constant 19968 : i32
    %add3A_72 = arith.addi %add3A_71, %mul3A_2 : i32
    "tpu.region"() ({
      %run_scoped3A = tpu.sem_alloc : memref<!tpu.dma_semaphore, #tpu.memory_space<semaphore_mem>>
      %dma_start3A_85 = arith.constant 624 : i32
      %dma_start3A_86 = tpu.memref_slice %arg15[%dma_start3A_85] : memref<4992xf32, #tpu.memory_space<vmem>> -> memref<624xf32, #tpu.memory_space<vmem>>
      %dma_start3A_87 = tpu.memref_slice %arg12[%add3A_72] : memref<159744xf32, #tpu.memory_space<hbm>> -> memref<624xf32, #tpu.memory_space<hbm>>
      %dma_start3A_88 = tpu.memref_slice %arg12[%add3A_72] : memref<159744xf32, #tpu.memory_space<hbm>> -> memref<624xf32, #tpu.memory_space<hbm>>
      %dma_start3A_89 = arith.constant 624 : i32
      %dma_start3A_90 = tpu.memref_slice %arg15[%dma_start3A_89] : memref<4992xf32, #tpu.memory_space<vmem>> -> memref<624xf32, #tpu.memory_space<vmem>>
      tpu.enqueue_dma source(%dma_start3A_90 : memref<624xf32, #tpu.memory_space<vmem>>) target(%dma_start3A_88 : memref<624xf32, #tpu.memory_space<hbm>>) target_semaphore(%run_scoped3A : memref<!tpu.dma_semaphore, #tpu.memory_space<semaphore_mem>>)
      %dma_wait3A_91 = arith.constant 624 : i32
      %dma_wait3A_92 = tpu.memref_slice %arg15[%dma_wait3A_91] : memref<4992xf32, #tpu.memory_space<vmem>> -> memref<624xf32, #tpu.memory_space<vmem>>
      %dma_wait3A_93 = tpu.memref_slice %arg12[%add3A_72] : memref<159744xf32, #tpu.memory_space<hbm>> -> memref<624xf32, #tpu.memory_space<hbm>>
      %dma_wait3A_94 = tpu.memref_slice %arg12[%add3A_72] : memref<159744xf32, #tpu.memory_space<hbm>> -> memref<624xf32, #tpu.memory_space<hbm>>
      %dma_wait3A_95 = arith.constant 624 : i32
      %dma_wait3A_96 = tpu.memref_slice %arg15[%dma_wait3A_95] : memref<4992xf32, #tpu.memory_space<vmem>> -> memref<624xf32, #tpu.memory_space<vmem>>
      tpu.wait_dma2 semaphore(%run_scoped3A : memref<!tpu.dma_semaphore, #tpu.memory_space<semaphore_mem>>) src(%dma_wait3A_96 : memref<624xf32, #tpu.memory_space<vmem>>) dst(%dma_wait3A_94 : memref<624xf32, #tpu.memory_space<hbm>>)
      tpu.yield
    }) : () -> ()
    %add3A_73 = arith.constant 39936 : i32
    %add3A_74 = arith.addi %add3A_73, %mul3A_2 : i32
    "tpu.region"() ({
      %run_scoped3A = tpu.sem_alloc : memref<!tpu.dma_semaphore, #tpu.memory_space<semaphore_mem>>
      %dma_start3A_85 = arith.constant 1248 : i32
      %dma_start3A_86 = tpu.memref_slice %arg15[%dma_start3A_85] : memref<4992xf32, #tpu.memory_space<vmem>> -> memref<624xf32, #tpu.memory_space<vmem>>
      %dma_start3A_87 = tpu.memref_slice %arg12[%add3A_74] : memref<159744xf32, #tpu.memory_space<hbm>> -> memref<624xf32, #tpu.memory_space<hbm>>
      %dma_start3A_88 = tpu.memref_slice %arg12[%add3A_74] : memref<159744xf32, #tpu.memory_space<hbm>> -> memref<624xf32, #tpu.memory_space<hbm>>
      %dma_start3A_89 = arith.constant 1248 : i32
      %dma_start3A_90 = tpu.memref_slice %arg15[%dma_start3A_89] : memref<4992xf32, #tpu.memory_space<vmem>> -> memref<624xf32, #tpu.memory_space<vmem>>
      tpu.enqueue_dma source(%dma_start3A_90 : memref<624xf32, #tpu.memory_space<vmem>>) target(%dma_start3A_88 : memref<624xf32, #tpu.memory_space<hbm>>) target_semaphore(%run_scoped3A : memref<!tpu.dma_semaphore, #tpu.memory_space<semaphore_mem>>)
      %dma_wait3A_91 = arith.constant 1248 : i32
      %dma_wait3A_92 = tpu.memref_slice %arg15[%dma_wait3A_91] : memref<4992xf32, #tpu.memory_space<vmem>> -> memref<624xf32, #tpu.memory_space<vmem>>
      %dma_wait3A_93 = tpu.memref_slice %arg12[%add3A_74] : memref<159744xf32, #tpu.memory_space<hbm>> -> memref<624xf32, #tpu.memory_space<hbm>>
      %dma_wait3A_94 = tpu.memref_slice %arg12[%add3A_74] : memref<159744xf32, #tpu.memory_space<hbm>> -> memref<624xf32, #tpu.memory_space<hbm>>
      %dma_wait3A_95 = arith.constant 1248 : i32
      %dma_wait3A_96 = tpu.memref_slice %arg15[%dma_wait3A_95] : memref<4992xf32, #tpu.memory_space<vmem>> -> memref<624xf32, #tpu.memory_space<vmem>>
      tpu.wait_dma2 semaphore(%run_scoped3A : memref<!tpu.dma_semaphore, #tpu.memory_space<semaphore_mem>>) src(%dma_wait3A_96 : memref<624xf32, #tpu.memory_space<vmem>>) dst(%dma_wait3A_94 : memref<624xf32, #tpu.memory_space<hbm>>)
      tpu.yield
    }) : () -> ()
    %add3A_75 = arith.constant 59904 : i32
    %add3A_76 = arith.addi %add3A_75, %mul3A_2 : i32
    "tpu.region"() ({
      %run_scoped3A = tpu.sem_alloc : memref<!tpu.dma_semaphore, #tpu.memory_space<semaphore_mem>>
      %dma_start3A_85 = arith.constant 1872 : i32
      %dma_start3A_86 = tpu.memref_slice %arg15[%dma_start3A_85] : memref<4992xf32, #tpu.memory_space<vmem>> -> memref<624xf32, #tpu.memory_space<vmem>>
      %dma_start3A_87 = tpu.memref_slice %arg12[%add3A_76] : memref<159744xf32, #tpu.memory_space<hbm>> -> memref<624xf32, #tpu.memory_space<hbm>>
      %dma_start3A_88 = tpu.memref_slice %arg12[%add3A_76] : memref<159744xf32, #tpu.memory_space<hbm>> -> memref<624xf32, #tpu.memory_space<hbm>>
      %dma_start3A_89 = arith.constant 1872 : i32
      %dma_start3A_90 = tpu.memref_slice %arg15[%dma_start3A_89] : memref<4992xf32, #tpu.memory_space<vmem>> -> memref<624xf32, #tpu.memory_space<vmem>>
      tpu.enqueue_dma source(%dma_start3A_90 : memref<624xf32, #tpu.memory_space<vmem>>) target(%dma_start3A_88 : memref<624xf32, #tpu.memory_space<hbm>>) target_semaphore(%run_scoped3A : memref<!tpu.dma_semaphore, #tpu.memory_space<semaphore_mem>>)
      %dma_wait3A_91 = arith.constant 1872 : i32
      %dma_wait3A_92 = tpu.memref_slice %arg15[%dma_wait3A_91] : memref<4992xf32, #tpu.memory_space<vmem>> -> memref<624xf32, #tpu.memory_space<vmem>>
      %dma_wait3A_93 = tpu.memref_slice %arg12[%add3A_76] : memref<159744xf32, #tpu.memory_space<hbm>> -> memref<624xf32, #tpu.memory_space<hbm>>
      %dma_wait3A_94 = tpu.memref_slice %arg12[%add3A_76] : memref<159744xf32, #tpu.memory_space<hbm>> -> memref<624xf32, #tpu.memory_space<hbm>>
      %dma_wait3A_95 = arith.constant 1872 : i32
      %dma_wait3A_96 = tpu.memref_slice %arg15[%dma_wait3A_95] : memref<4992xf32, #tpu.memory_space<vmem>> -> memref<624xf32, #tpu.memory_space<vmem>>
      tpu.wait_dma2 semaphore(%run_scoped3A : memref<!tpu.dma_semaphore, #tpu.memory_space<semaphore_mem>>) src(%dma_wait3A_96 : memref<624xf32, #tpu.memory_space<vmem>>) dst(%dma_wait3A_94 : memref<624xf32, #tpu.memory_space<hbm>>)
      tpu.yield
    }) : () -> ()
    %add3A_77 = arith.constant 79872 : i32
    %add3A_78 = arith.addi %add3A_77, %mul3A_2 : i32
    "tpu.region"() ({
      %run_scoped3A = tpu.sem_alloc : memref<!tpu.dma_semaphore, #tpu.memory_space<semaphore_mem>>
      %dma_start3A_85 = arith.constant 2496 : i32
      %dma_start3A_86 = tpu.memref_slice %arg15[%dma_start3A_85] : memref<4992xf32, #tpu.memory_space<vmem>> -> memref<624xf32, #tpu.memory_space<vmem>>
      %dma_start3A_87 = tpu.memref_slice %arg12[%add3A_78] : memref<159744xf32, #tpu.memory_space<hbm>> -> memref<624xf32, #tpu.memory_space<hbm>>
      %dma_start3A_88 = tpu.memref_slice %arg12[%add3A_78] : memref<159744xf32, #tpu.memory_space<hbm>> -> memref<624xf32, #tpu.memory_space<hbm>>
      %dma_start3A_89 = arith.constant 2496 : i32
      %dma_start3A_90 = tpu.memref_slice %arg15[%dma_start3A_89] : memref<4992xf32, #tpu.memory_space<vmem>> -> memref<624xf32, #tpu.memory_space<vmem>>
      tpu.enqueue_dma source(%dma_start3A_90 : memref<624xf32, #tpu.memory_space<vmem>>) target(%dma_start3A_88 : memref<624xf32, #tpu.memory_space<hbm>>) target_semaphore(%run_scoped3A : memref<!tpu.dma_semaphore, #tpu.memory_space<semaphore_mem>>)
      %dma_wait3A_91 = arith.constant 2496 : i32
      %dma_wait3A_92 = tpu.memref_slice %arg15[%dma_wait3A_91] : memref<4992xf32, #tpu.memory_space<vmem>> -> memref<624xf32, #tpu.memory_space<vmem>>
      %dma_wait3A_93 = tpu.memref_slice %arg12[%add3A_78] : memref<159744xf32, #tpu.memory_space<hbm>> -> memref<624xf32, #tpu.memory_space<hbm>>
      %dma_wait3A_94 = tpu.memref_slice %arg12[%add3A_78] : memref<159744xf32, #tpu.memory_space<hbm>> -> memref<624xf32, #tpu.memory_space<hbm>>
      %dma_wait3A_95 = arith.constant 2496 : i32
      %dma_wait3A_96 = tpu.memref_slice %arg15[%dma_wait3A_95] : memref<4992xf32, #tpu.memory_space<vmem>> -> memref<624xf32, #tpu.memory_space<vmem>>
      tpu.wait_dma2 semaphore(%run_scoped3A : memref<!tpu.dma_semaphore, #tpu.memory_space<semaphore_mem>>) src(%dma_wait3A_96 : memref<624xf32, #tpu.memory_space<vmem>>) dst(%dma_wait3A_94 : memref<624xf32, #tpu.memory_space<hbm>>)
      tpu.yield
    }) : () -> ()
    %add3A_79 = arith.constant 99840 : i32
    %add3A_80 = arith.addi %add3A_79, %mul3A_2 : i32
    "tpu.region"() ({
      %run_scoped3A = tpu.sem_alloc : memref<!tpu.dma_semaphore, #tpu.memory_space<semaphore_mem>>
      %dma_start3A_85 = arith.constant 3120 : i32
      %dma_start3A_86 = tpu.memref_slice %arg15[%dma_start3A_85] : memref<4992xf32, #tpu.memory_space<vmem>> -> memref<624xf32, #tpu.memory_space<vmem>>
      %dma_start3A_87 = tpu.memref_slice %arg12[%add3A_80] : memref<159744xf32, #tpu.memory_space<hbm>> -> memref<624xf32, #tpu.memory_space<hbm>>
      %dma_start3A_88 = tpu.memref_slice %arg12[%add3A_80] : memref<159744xf32, #tpu.memory_space<hbm>> -> memref<624xf32, #tpu.memory_space<hbm>>
      %dma_start3A_89 = arith.constant 3120 : i32
      %dma_start3A_90 = tpu.memref_slice %arg15[%dma_start3A_89] : memref<4992xf32, #tpu.memory_space<vmem>> -> memref<624xf32, #tpu.memory_space<vmem>>
      tpu.enqueue_dma source(%dma_start3A_90 : memref<624xf32, #tpu.memory_space<vmem>>) target(%dma_start3A_88 : memref<624xf32, #tpu.memory_space<hbm>>) target_semaphore(%run_scoped3A : memref<!tpu.dma_semaphore, #tpu.memory_space<semaphore_mem>>)
      %dma_wait3A_91 = arith.constant 3120 : i32
      %dma_wait3A_92 = tpu.memref_slice %arg15[%dma_wait3A_91] : memref<4992xf32, #tpu.memory_space<vmem>> -> memref<624xf32, #tpu.memory_space<vmem>>
      %dma_wait3A_93 = tpu.memref_slice %arg12[%add3A_80] : memref<159744xf32, #tpu.memory_space<hbm>> -> memref<624xf32, #tpu.memory_space<hbm>>
      %dma_wait3A_94 = tpu.memref_slice %arg12[%add3A_80] : memref<159744xf32, #tpu.memory_space<hbm>> -> memref<624xf32, #tpu.memory_space<hbm>>
      %dma_wait3A_95 = arith.constant 3120 : i32
      %dma_wait3A_96 = tpu.memref_slice %arg15[%dma_wait3A_95] : memref<4992xf32, #tpu.memory_space<vmem>> -> memref<624xf32, #tpu.memory_space<vmem>>
      tpu.wait_dma2 semaphore(%run_scoped3A : memref<!tpu.dma_semaphore, #tpu.memory_space<semaphore_mem>>) src(%dma_wait3A_96 : memref<624xf32, #tpu.memory_space<vmem>>) dst(%dma_wait3A_94 : memref<624xf32, #tpu.memory_space<hbm>>)
      tpu.yield
    }) : () -> ()
    %add3A_81 = arith.constant 119808 : i32
    %add3A_82 = arith.addi %add3A_81, %mul3A_2 : i32
    "tpu.region"() ({
      %run_scoped3A = tpu.sem_alloc : memref<!tpu.dma_semaphore, #tpu.memory_space<semaphore_mem>>
      %dma_start3A_85 = arith.constant 3744 : i32
      %dma_start3A_86 = tpu.memref_slice %arg15[%dma_start3A_85] : memref<4992xf32, #tpu.memory_space<vmem>> -> memref<624xf32, #tpu.memory_space<vmem>>
      %dma_start3A_87 = tpu.memref_slice %arg12[%add3A_82] : memref<159744xf32, #tpu.memory_space<hbm>> -> memref<624xf32, #tpu.memory_space<hbm>>
      %dma_start3A_88 = tpu.memref_slice %arg12[%add3A_82] : memref<159744xf32, #tpu.memory_space<hbm>> -> memref<624xf32, #tpu.memory_space<hbm>>
      %dma_start3A_89 = arith.constant 3744 : i32
      %dma_start3A_90 = tpu.memref_slice %arg15[%dma_start3A_89] : memref<4992xf32, #tpu.memory_space<vmem>> -> memref<624xf32, #tpu.memory_space<vmem>>
      tpu.enqueue_dma source(%dma_start3A_90 : memref<624xf32, #tpu.memory_space<vmem>>) target(%dma_start3A_88 : memref<624xf32, #tpu.memory_space<hbm>>) target_semaphore(%run_scoped3A : memref<!tpu.dma_semaphore, #tpu.memory_space<semaphore_mem>>)
      %dma_wait3A_91 = arith.constant 3744 : i32
      %dma_wait3A_92 = tpu.memref_slice %arg15[%dma_wait3A_91] : memref<4992xf32, #tpu.memory_space<vmem>> -> memref<624xf32, #tpu.memory_space<vmem>>
      %dma_wait3A_93 = tpu.memref_slice %arg12[%add3A_82] : memref<159744xf32, #tpu.memory_space<hbm>> -> memref<624xf32, #tpu.memory_space<hbm>>
      %dma_wait3A_94 = tpu.memref_slice %arg12[%add3A_82] : memref<159744xf32, #tpu.memory_space<hbm>> -> memref<624xf32, #tpu.memory_space<hbm>>
      %dma_wait3A_95 = arith.constant 3744 : i32
      %dma_wait3A_96 = tpu.memref_slice %arg15[%dma_wait3A_95] : memref<4992xf32, #tpu.memory_space<vmem>> -> memref<624xf32, #tpu.memory_space<vmem>>
      tpu.wait_dma2 semaphore(%run_scoped3A : memref<!tpu.dma_semaphore, #tpu.memory_space<semaphore_mem>>) src(%dma_wait3A_96 : memref<624xf32, #tpu.memory_space<vmem>>) dst(%dma_wait3A_94 : memref<624xf32, #tpu.memory_space<hbm>>)
      tpu.yield
    }) : () -> ()
    %add3A_83 = arith.constant 139776 : i32
    %add3A_84 = arith.addi %add3A_83, %mul3A_2 : i32
    "tpu.region"() ({
      %run_scoped3A = tpu.sem_alloc : memref<!tpu.dma_semaphore, #tpu.memory_space<semaphore_mem>>
      %dma_start3A_85 = arith.constant 4368 : i32
      %dma_start3A_86 = tpu.memref_slice %arg15[%dma_start3A_85] : memref<4992xf32, #tpu.memory_space<vmem>> -> memref<624xf32, #tpu.memory_space<vmem>>
      %dma_start3A_87 = tpu.memref_slice %arg12[%add3A_84] : memref<159744xf32, #tpu.memory_space<hbm>> -> memref<624xf32, #tpu.memory_space<hbm>>
      %dma_start3A_88 = tpu.memref_slice %arg12[%add3A_84] : memref<159744xf32, #tpu.memory_space<hbm>> -> memref<624xf32, #tpu.memory_space<hbm>>
      %dma_start3A_89 = arith.constant 4368 : i32
      %dma_start3A_90 = tpu.memref_slice %arg15[%dma_start3A_89] : memref<4992xf32, #tpu.memory_space<vmem>> -> memref<624xf32, #tpu.memory_space<vmem>>
      tpu.enqueue_dma source(%dma_start3A_90 : memref<624xf32, #tpu.memory_space<vmem>>) target(%dma_start3A_88 : memref<624xf32, #tpu.memory_space<hbm>>) target_semaphore(%run_scoped3A : memref<!tpu.dma_semaphore, #tpu.memory_space<semaphore_mem>>)
      %dma_wait3A_91 = arith.constant 4368 : i32
      %dma_wait3A_92 = tpu.memref_slice %arg15[%dma_wait3A_91] : memref<4992xf32, #tpu.memory_space<vmem>> -> memref<624xf32, #tpu.memory_space<vmem>>
      %dma_wait3A_93 = tpu.memref_slice %arg12[%add3A_84] : memref<159744xf32, #tpu.memory_space<hbm>> -> memref<624xf32, #tpu.memory_space<hbm>>
      %dma_wait3A_94 = tpu.memref_slice %arg12[%add3A_84] : memref<159744xf32, #tpu.memory_space<hbm>> -> memref<624xf32, #tpu.memory_space<hbm>>
      %dma_wait3A_95 = arith.constant 4368 : i32
      %dma_wait3A_96 = tpu.memref_slice %arg15[%dma_wait3A_95] : memref<4992xf32, #tpu.memory_space<vmem>> -> memref<624xf32, #tpu.memory_space<vmem>>
      tpu.wait_dma2 semaphore(%run_scoped3A : memref<!tpu.dma_semaphore, #tpu.memory_space<semaphore_mem>>) src(%dma_wait3A_96 : memref<624xf32, #tpu.memory_space<vmem>>) dst(%dma_wait3A_94 : memref<624xf32, #tpu.memory_space<hbm>>)
      tpu.yield
    }) : () -> ()
    return
  }
}

module attributes {stable_mosaic.version = 14 : i64} {
  func.func @_extract_body(%arg0: i32, %arg1: memref<8x131072xf32, #tpu.memory_space<vmem>>, %arg2: memref<131072xf32, #tpu.memory_space<vmem>>, %arg3: memref<131072xf32, #tpu.memory_space<vmem>>, %arg4: memref<131072xf32, #tpu.memory_space<vmem>>, %arg5: memref<131072xf32, #tpu.memory_space<vmem>>, %arg6: memref<131072xf32, #tpu.memory_space<vmem>>, %arg7: memref<131072xf32, #tpu.memory_space<vmem>>, %arg8: memref<131072xf32, #tpu.memory_space<vmem>>, %arg9: memref<131072xf32, #tpu.memory_space<vmem>>) attributes {dimension_semantics = [#tpu.dimension_semantics<arbitrary>], iteration_bounds = array<i64: 8>, scalar_prefetch = 0 : i64, scratch_operands = 0 : i64, tpu.core_type = #tpu.core_type<tc>, window_params = [{transform_indices = @transform_0, window_bounds = array<i64: 8, 131072>}, {transform_indices = @transform_1, window_bounds = array<i64: 131072>}, {transform_indices = @transform_2, window_bounds = array<i64: 131072>}, {transform_indices = @transform_3, window_bounds = array<i64: 131072>}, {transform_indices = @transform_4, window_bounds = array<i64: 131072>}, {transform_indices = @transform_5, window_bounds = array<i64: 131072>}, {transform_indices = @transform_6, window_bounds = array<i64: 131072>}, {transform_indices = @transform_7, window_bounds = array<i64: 131072>}, {transform_indices = @transform_8, window_bounds = array<i64: 131072>}]} {
    %get3A = arith.constant 0 : index
    %get3A_0 = arith.constant 0 : index
    %get3A_1 = vector.load %arg1[%get3A, %get3A_0] : memref<8x131072xf32, #tpu.memory_space<vmem>>, vector<8x131072xf32>
    %slice3A = vector.extract_strided_slice %get3A_1 {offsets = [0, 0], sizes = [1, 131072], strides = [1, 1]} : vector<8x131072xf32> to vector<1x131072xf32>
    %squeeze3A = vector.shape_cast %slice3A : vector<1x131072xf32> to vector<131072xf32>
    %swap3A = arith.constant 0 : index
    %swap3A_2 = vector.load %arg2[%swap3A] : memref<131072xf32, #tpu.memory_space<vmem>>, vector<131072xf32>
    tpu.vector_store %arg2[%swap3A], %squeeze3A {strides = array<i32>} : memref<131072xf32, #tpu.memory_space<vmem>>, vector<131072xf32>,
    %slice3A_3 = vector.extract_strided_slice %get3A_1 {offsets = [1, 0], sizes = [1, 131072], strides = [1, 1]} : vector<8x131072xf32> to vector<1x131072xf32>
    %squeeze3A_4 = vector.shape_cast %slice3A_3 : vector<1x131072xf32> to vector<131072xf32>
    %swap3A_5 = arith.constant 0 : index
    %swap3A_6 = vector.load %arg3[%swap3A_5] : memref<131072xf32, #tpu.memory_space<vmem>>, vector<131072xf32>
    tpu.vector_store %arg3[%swap3A_5], %squeeze3A_4 {strides = array<i32>} : memref<131072xf32, #tpu.memory_space<vmem>>, vector<131072xf32>,
    %slice3A_7 = vector.extract_strided_slice %get3A_1 {offsets = [2, 0], sizes = [1, 131072], strides = [1, 1]} : vector<8x131072xf32> to vector<1x131072xf32>
    %squeeze3A_8 = vector.shape_cast %slice3A_7 : vector<1x131072xf32> to vector<131072xf32>
    %swap3A_9 = arith.constant 0 : index
    %swap3A_10 = vector.load %arg4[%swap3A_9] : memref<131072xf32, #tpu.memory_space<vmem>>, vector<131072xf32>
    tpu.vector_store %arg4[%swap3A_9], %squeeze3A_8 {strides = array<i32>} : memref<131072xf32, #tpu.memory_space<vmem>>, vector<131072xf32>,
    %slice3A_11 = vector.extract_strided_slice %get3A_1 {offsets = [3, 0], sizes = [1, 131072], strides = [1, 1]} : vector<8x131072xf32> to vector<1x131072xf32>
    %squeeze3A_12 = vector.shape_cast %slice3A_11 : vector<1x131072xf32> to vector<131072xf32>
    %swap3A_13 = arith.constant 0 : index
    %swap3A_14 = vector.load %arg5[%swap3A_13] : memref<131072xf32, #tpu.memory_space<vmem>>, vector<131072xf32>
    tpu.vector_store %arg5[%swap3A_13], %squeeze3A_12 {strides = array<i32>} : memref<131072xf32, #tpu.memory_space<vmem>>, vector<131072xf32>,
    %slice3A_15 = vector.extract_strided_slice %get3A_1 {offsets = [4, 0], sizes = [1, 131072], strides = [1, 1]} : vector<8x131072xf32> to vector<1x131072xf32>
    %squeeze3A_16 = vector.shape_cast %slice3A_15 : vector<1x131072xf32> to vector<131072xf32>
    %swap3A_17 = arith.constant 0 : index
    %swap3A_18 = vector.load %arg6[%swap3A_17] : memref<131072xf32, #tpu.memory_space<vmem>>, vector<131072xf32>
    tpu.vector_store %arg6[%swap3A_17], %squeeze3A_16 {strides = array<i32>} : memref<131072xf32, #tpu.memory_space<vmem>>, vector<131072xf32>,
    %slice3A_19 = vector.extract_strided_slice %get3A_1 {offsets = [5, 0], sizes = [1, 131072], strides = [1, 1]} : vector<8x131072xf32> to vector<1x131072xf32>
    %squeeze3A_20 = vector.shape_cast %slice3A_19 : vector<1x131072xf32> to vector<131072xf32>
    %swap3A_21 = arith.constant 0 : index
    %swap3A_22 = vector.load %arg7[%swap3A_21] : memref<131072xf32, #tpu.memory_space<vmem>>, vector<131072xf32>
    tpu.vector_store %arg7[%swap3A_21], %squeeze3A_20 {strides = array<i32>} : memref<131072xf32, #tpu.memory_space<vmem>>, vector<131072xf32>,
    %slice3A_23 = vector.extract_strided_slice %get3A_1 {offsets = [6, 0], sizes = [1, 131072], strides = [1, 1]} : vector<8x131072xf32> to vector<1x131072xf32>
    %squeeze3A_24 = vector.shape_cast %slice3A_23 : vector<1x131072xf32> to vector<131072xf32>
    %swap3A_25 = arith.constant 0 : index
    %swap3A_26 = vector.load %arg8[%swap3A_25] : memref<131072xf32, #tpu.memory_space<vmem>>, vector<131072xf32>
    tpu.vector_store %arg8[%swap3A_25], %squeeze3A_24 {strides = array<i32>} : memref<131072xf32, #tpu.memory_space<vmem>>, vector<131072xf32>,
    %slice3A_27 = vector.extract_strided_slice %get3A_1 {offsets = [7, 0], sizes = [1, 131072], strides = [1, 1]} : vector<8x131072xf32> to vector<1x131072xf32>
    %squeeze3A_28 = vector.shape_cast %slice3A_27 : vector<1x131072xf32> to vector<131072xf32>
    %swap3A_29 = arith.constant 0 : index
    %swap3A_30 = vector.load %arg9[%swap3A_29] : memref<131072xf32, #tpu.memory_space<vmem>>, vector<131072xf32>
    tpu.vector_store %arg9[%swap3A_29], %squeeze3A_28 {strides = array<i32>} : memref<131072xf32, #tpu.memory_space<vmem>>, vector<131072xf32>,
    return
  }
  func.func @transform_0(%arg0: i32) -> (i32, i32) {
    %c0_i32 = arith.constant 0 : i32
    %c0_i32_0 = arith.constant 0 : i32
    return %c0_i32, %arg0 : i32, i32
  }
  func.func @transform_1(%arg0: i32) -> i32 {
    %c0_i32 = arith.constant 0 : i32
    return %arg0 : i32
  }
  func.func @transform_2(%arg0: i32) -> i32 {
    %c0_i32 = arith.constant 0 : i32
    return %arg0 : i32
  }
  func.func @transform_3(%arg0: i32) -> i32 {
    %c0_i32 = arith.constant 0 : i32
    return %arg0 : i32
  }
  func.func @transform_4(%arg0: i32) -> i32 {
    %c0_i32 = arith.constant 0 : i32
    return %arg0 : i32
  }
  func.func @transform_5(%arg0: i32) -> i32 {
    %c0_i32 = arith.constant 0 : i32
    return %arg0 : i32
  }
  func.func @transform_6(%arg0: i32) -> i32 {
    %c0_i32 = arith.constant 0 : i32
    return %arg0 : i32
  }
  func.func @transform_7(%arg0: i32) -> i32 {
    %c0_i32 = arith.constant 0 : i32
    return %arg0 : i32
  }
  func.func @transform_8(%arg0: i32) -> i32 {
    %c0_i32 = arith.constant 0 : i32
    return %arg0 : i32
  }
}

module attributes {stable_mosaic.version = 14 : i64} {
  func.func @_mlp_body(%arg0: memref<512x312xf32, #tpu.memory_space<vmem>>, %arg1: memref<312x400xf32, #tpu.memory_space<vmem>>, %arg2: memref<1x400xf32, #tpu.memory_space<vmem>>, %arg3: memref<400x400xf32, #tpu.memory_space<vmem>>, %arg4: memref<1x400xf32, #tpu.memory_space<vmem>>, %arg5: memref<400x1xf32, #tpu.memory_space<vmem>>, %arg6: memref<1x1xf32, #tpu.memory_space<vmem>>, %arg7: memref<512x1xf32, #tpu.memory_space<vmem>>, %arg8: memref<512x1xf32, #tpu.memory_space<vmem>>, %arg9: memref<512x1xf32, #tpu.memory_space<vmem>>, %arg10: memref<1x1xf32, #tpu.memory_space<smem>>) attributes {dimension_semantics = [], scalar_prefetch = 0 : i64, scratch_operands = 0 : i64, tpu.core_type = #tpu.core_type<tc>} {
    %get3A = arith.constant 0 : index
    %get3A_0 = arith.constant 0 : index
    %get3A_1 = vector.load %arg0[%get3A, %get3A_0] : memref<512x312xf32, #tpu.memory_space<vmem>>, vector<512x312xf32>
    %get3A_2 = arith.constant 0 : index
    %get3A_3 = arith.constant 0 : index
    %get3A_4 = vector.load %arg1[%get3A_2, %get3A_3] : memref<312x400xf32, #tpu.memory_space<vmem>>, vector<312x400xf32>
    %dot_general3A = arith.constant dense<0.000000e+00> : vector<512x400xf32>
    %dot_general3A_5 = tpu.matmul %get3A_1, %get3A_4, %dot_general3A {dimension_numbers = #tpu.dot_dimension_numbers<[1], [0], [0], [1], [0, 0, 1, 1], [], []>, transpose_lhs_hint = false} : vector<512x312xf32>, vector<312x400xf32>, vector<512x400xf32> -> vector<512x400xf32>
    %get3A_6 = arith.constant 0 : index
    %get3A_7 = arith.constant 0 : index
    %get3A_8 = vector.load %arg2[%get3A_6, %get3A_7] : memref<1x400xf32, #tpu.memory_space<vmem>>, vector<1x400xf32>
    %add3A = vector.broadcast %get3A_8 : vector<1x400xf32> to vector<512x400xf32>
    %add3A_9 = arith.addf %dot_general3A_5, %add3A : vector<512x400xf32>
    %max3A = arith.constant 0.000000e+00 : f32
    %max3A_10 = vector.broadcast %max3A : f32 to vector<512x400xf32>
    %max3A_11 = arith.maximumf %add3A_9, %max3A_10 : vector<512x400xf32>
    %get3A_12 = arith.constant 0 : index
    %get3A_13 = arith.constant 0 : index
    %get3A_14 = vector.load %arg3[%get3A_12, %get3A_13] : memref<400x400xf32, #tpu.memory_space<vmem>>, vector<400x400xf32>
    %dot_general3A_15 = arith.constant dense<0.000000e+00> : vector<512x400xf32>
    %dot_general3A_16 = tpu.matmul %max3A_11, %get3A_14, %dot_general3A_15 {dimension_numbers = #tpu.dot_dimension_numbers<[1], [0], [0], [1], [0, 0, 1, 1], [], []>, transpose_lhs_hint = false} : vector<512x400xf32>, vector<400x400xf32>, vector<512x400xf32> -> vector<512x400xf32>
    %get3A_17 = arith.constant 0 : index
    %get3A_18 = arith.constant 0 : index
    %get3A_19 = vector.load %arg4[%get3A_17, %get3A_18] : memref<1x400xf32, #tpu.memory_space<vmem>>, vector<1x400xf32>
    %add3A_20 = vector.broadcast %get3A_19 : vector<1x400xf32> to vector<512x400xf32>
    %add3A_21 = arith.addf %dot_general3A_16, %add3A_20 : vector<512x400xf32>
    %max3A_22 = arith.constant 0.000000e+00 : f32
    %max3A_23 = vector.broadcast %max3A_22 : f32 to vector<512x400xf32>
    %max3A_24 = arith.maximumf %add3A_21, %max3A_23 : vector<512x400xf32>
    %get3A_25 = arith.constant 0 : index
    %get3A_26 = arith.constant 0 : index
    %get3A_27 = vector.load %arg5[%get3A_25, %get3A_26] : memref<400x1xf32, #tpu.memory_space<vmem>>, vector<400x1xf32>
    %dot_general3A_28 = arith.constant dense<0.000000e+00> : vector<512x1xf32>
    %dot_general3A_29 = tpu.matmul %max3A_24, %get3A_27, %dot_general3A_28 {dimension_numbers = #tpu.dot_dimension_numbers<[1], [0], [0], [1], [0, 0, 1, 1], [], []>, transpose_lhs_hint = false} : vector<512x400xf32>, vector<400x1xf32>, vector<512x1xf32> -> vector<512x1xf32>
    %get3A_30 = arith.constant 0 : index
    %get3A_31 = arith.constant 0 : index
    %get3A_32 = vector.load %arg6[%get3A_30, %get3A_31] : memref<1x1xf32, #tpu.memory_space<vmem>>, vector<1x1xf32>
    %add3A_33 = vector.broadcast %get3A_32 : vector<1x1xf32> to vector<512x1xf32>
    %add3A_34 = arith.addf %dot_general3A_29, %add3A_33 : vector<512x1xf32>
    %swap3A = arith.constant 0 : index
    %swap3A_35 = arith.constant 0 : index
    %swap3A_36 = vector.load %arg8[%swap3A, %swap3A_35] : memref<512x1xf32, #tpu.memory_space<vmem>>, vector<512x1xf32>
    tpu.vector_store %arg8[%swap3A, %swap3A_35], %add3A_34 {strides = array<i32>} : memref<512x1xf32, #tpu.memory_space<vmem>>, vector<512x1xf32>,
    %logistic3A = arith.negf %add3A_34 : vector<512x1xf32>
    %logistic3A_37 = math.exp %logistic3A : vector<512x1xf32>
    %logistic3A_38 = arith.constant 1.000000e+00 : f32
    %logistic3A_39 = vector.broadcast %logistic3A_38 : f32 to vector<512x1xf32>
    %logistic3A_40 = arith.addf %logistic3A_39, %logistic3A_37 : vector<512x1xf32>
    %logistic3A_41 = arith.divf %logistic3A_39, %logistic3A_40 : vector<512x1xf32>
    %swap3A_42 = arith.constant 0 : index
    %swap3A_43 = arith.constant 0 : index
    %swap3A_44 = vector.load %arg9[%swap3A_42, %swap3A_43] : memref<512x1xf32, #tpu.memory_space<vmem>>, vector<512x1xf32>
    tpu.vector_store %arg9[%swap3A_42, %swap3A_43], %logistic3A_41 {strides = array<i32>} : memref<512x1xf32, #tpu.memory_space<vmem>>, vector<512x1xf32>,
    %get3A_45 = arith.constant 0 : index
    %get3A_46 = arith.constant 0 : index
    %get3A_47 = vector.load %arg7[%get3A_45, %get3A_46] : memref<512x1xf32, #tpu.memory_space<vmem>>, vector<512x1xf32>
    %max3A_48 = arith.constant 0.000000e+00 : f32
    %max3A_49 = vector.broadcast %max3A_48 : f32 to vector<512x1xf32>
    %max3A_50 = arith.maximumf %add3A_34, %max3A_49 : vector<512x1xf32>
    %mul3A = arith.mulf %add3A_34, %get3A_47 : vector<512x1xf32>
    %sub3A = arith.subf %max3A_50, %mul3A : vector<512x1xf32>
    %abs3A = math.absf %add3A_34 : vector<512x1xf32>
    %neg3A = arith.constant 0.000000e+00 : f32
    %neg3A_51 = vector.broadcast %neg3A : f32 to vector<512x1xf32>
    %neg3A_52 = arith.subf %neg3A_51, %abs3A : vector<512x1xf32>
    %exp3A = math.exp %neg3A_52 : vector<512x1xf32>
    %log1p3A = math.log1p %exp3A : vector<512x1xf32>
    %add3A_53 = arith.addf %sub3A, %log1p3A : vector<512x1xf32>
    %reduce_sum3A = vector.shape_cast %add3A_53 : vector<512x1xf32> to vector<1x512x1xf32>
    %reduce_sum3A_54 = arith.constant dense<0.000000e+00> : vector<1xf32>
    %reduce_sum3A_55 = vector.multi_reduction <add>, %reduce_sum3A, %reduce_sum3A_54 [1, 2] : vector<1x512x1xf32> to vector<1xf32>
    %reduce_sum3A_56 = vector.shape_cast %reduce_sum3A_55 : vector<1xf32> to vector<1x1x1xf32>
    %reduce_sum3A_57 = vector.extract %reduce_sum3A_56[0, 0, 0] : f32 from vector<1x1x1xf32>
    %mul3A_58 = arith.constant 0.001953125 : f32
    %mul3A_59 = arith.mulf %reduce_sum3A_57, %mul3A_58 : f32
    %swap3A_60 = arith.constant 0 : index
    %swap3A_61 = arith.constant 0 : index
    %swap3A_62 = memref.load %arg10[%swap3A_60, %swap3A_61] : memref<1x1xf32, #tpu.memory_space<smem>>
    memref.store %mul3A_59, %arg10[%swap3A_60, %swap3A_61] : memref<1x1xf32, #tpu.memory_space<smem>>
    return
  }
}

</mosaic_0001>

<sc_bundles>
// kernel: kernel.5.cloned.1.call-start
scs
__scs_entry_jumppad:
0x0: {  	(pc) =	sbr.rel $0x88, $3  }
0x1: {  	(tag) =	ssettag $0x0;
	lr =	simm.s32 $0x1  }
0x2: {  	[smem:$0x3F97] =	sst lr;
	_ =	strace $0xD0000000  }
0x3: {  	_ = 	snop  }
0x4: {  	_ = 	snop  }
0x5: {  	_ = 	snop  }
0x6: {  	_ = 	snop  }
0x7: {  	_ = 	snop  }
__scs_overlays_trampoline_lowered:
0x8: {  	[smem:$0x3FA6] =	sst s0  }
0x9: {  	[smem:$0x3FA7] =	sst s1  }
0xa: {  	[smem:$0x3FA8] =	sst s2  }
0xb: {  	[smem:$0x3FA9] =	sst s3  }
0xc: {  	[smem:$0x3FAA] =	sst s4  }
0xd: {  	[smem:$0x3FAB] =	sst s5  }
0xe: {  	[smem:$0x3FAC] =	sst s6  }
0xf: {  	[smem:$0x3FAD] =	sst s7  }
0x10: {  	[smem:$0x3FAE] =	sst s8  }
0x11: {  	[smem:$0x3FAF] =	sst s9;
	s0 =	simm.s32 @!p0 $0x0  }
0x12: {  	s1 =	sld [smem:$0x3F95];
	s0 =	simm.s32 @p0 $0x1  }
0x13: {  	[smem:$0x3FB0] =	sst s0;
	s0 =	simm.s32 @!p1 $0x0  }
0x14: {  	s2 =	sld [smem:$0x3F94];
	s0 =	simm.s32 @p1 $0x1  }
0x15: {  	[smem:$0x3FB1] =	sst s0;
	s0 =	simm.s32 @!p2 $0x0  }
0x16: {  	s3 =	sld [smem:$0x3FDB];
	s0 =	simm.s32 @p2 $0x1  }
0x17: {  	s4 =	simm.s32 $0x1BF5;
	[smem:$0x3FB3] =	sst s0  }
0x18: {  	s0 =	sld [smem:$0x3F96];
	_ =	swait.ge [sflag:s4], $0x0  }
0x19: {  	s7 =	sld [smem:$0x3F97]  }
0x1a: {  	s8 =	sadd.s32 $0xFFFFE003, lr  }
0x1b: {  	s9 =	sadd.s32 $0xFFFFFEF7, lr;
	s5 =	simm.s32 $0xFFFFFFFF;
	p2 =	slt.u32 s8, $0xFFFFF086  }
0x1c: {  	p1 =	slt.u32 s9, $0xF7A;
	s5 =	simm.s32 @!p2 $0x0  }
0x1d: {  	s5 =	simm.s32 @p1 $0x1;
	p0 =	seq.s32 s7, s2  }
0x1e: {  	s7 =	smul.u32 @!p0 $0xF7A, s2;
	p2 =	seq.s32 @!p0 s5, $0x0  }
0x1f: {  	s9 =	smul.u32 $0xF7A, s1;
	s8 =	simm.s32 @!p0 $0x1BF5;
	p2 =	por !p2, p0  }
0x20: {  	[sflag:s8] =	ssyncset.s32 @!p0 $0xFFFFF086;
	s6 =	sadd.s32 @!p0 s3, s7;
	s7 =	simm.s32 @!p0 $0x108  }
0x21: {  	s3 =	sadd.s32 s3, s9;
	s6 =	sadd.s32 @!p0 $0x88, s6;
	s7 =	simm.s32 @p2 $0x1082  }
0x22: {  	[simem:s7], [sflag:s8] =	dma.local @!p0 [hbm:s6], $0xF7A  }
0x23: {  	s9 =	sor.u32 $0xD0000000, s2;
	s6 =	simm.s32 $0x108;
	_ =	swait.ge @!p0 [sflag:s8], $0x0  }
0x24: {  	s3 =	sadd.s32 $0x88, s3;
	s6 =	simm.s32 @!p1 $0x1082;
	[sflag:s4] =	ssyncset.s32 $0xFFFFF086  }
0x25: {  	[simem:s6], [sflag:s4] =	dma.local [hbm:s3], $0xF7A  }
0x26: {  	[smem:$0x3F97] =	sst s1;
	(tag) =	ssettag s2;
	_ =	strace s9  }
0x27: {  	s1 =	sld [smem:$0x3FA7]  }
0x28: {  	s2 =	sld [smem:$0x3FA8]  }
0x29: {  	s4 =	sld [smem:$0x3FAA]  }
0x2a: {  	p0 =	seq.s32 s5, $0x0;
	s5 =	sld [smem:$0x3FAB]  }
0x2b: {  	s6 =	sld [smem:$0x3FAC]  }
0x2c: {  	s7 =	sld [smem:$0x3FAD]  }
0x2d: {  	s3 =	simm.s32 $0x108;
	s8 =	sld [smem:$0x3FAE]  }
0x2e: {  	s3 =	simm.s32 @!p0 $0x1082;
	s9 =	sld [smem:$0x3FAF]  }
0x2f: {  	lr =	sadd.s32 s0, s3;
	s0 =	sld [smem:$0x3FA6]  }
0x30: {  	s3 =	sld [smem:$0x3FA9]  }
0x31: {  	[smem:$0x3FB2] =	sst s10  }
0x32: {  	s10 =	sld [smem:$0x3FB0];
	_ =	sdelay $0x3  }
0x33: {  	p0 =	seq.s32 s10, $0x1;
	s10 =	sld [smem:$0x3FB2];
	_ =	sdelay $0x3  }
0x34: {  	[smem:$0x3FB2] =	sst s10  }
0x35: {  	s10 =	sld [smem:$0x3FB1];
	_ =	sdelay $0x3  }
0x36: {  	p1 =	seq.s32 s10, $0x1;
	s10 =	sld [smem:$0x3FB2];
	_ =	sdelay $0x3  }
0x37: {  	[smem:$0x3FB2] =	sst s10  }
0x38: {  	s10 =	sld [smem:$0x3FB3]  }
0x39: {  	_ = 	snop;
	(pc) =	sbr.ind lr, $3  }
0x3a: {  	_ = 	snop  }
0x3b: {  	_ = 	snop  }
0x3c: {  	p2 =	seq.s32 s10, $0x1;
	s10 =	sld [smem:$0x3FB2]  }
0x3d: {  	_ =	shalt  }
0x3e: {  	_ =	shalt  }
0x3f: {  	_ =	shalt  }
0x40: {  	_ =	shalt  }
0x41: {  	_ =	shalt  }
0x42: {  	_ =	shalt  }
0x43: {  	_ =	shalt  }
0x44: {  	_ =	shalt  }
0x45: {  	_ =	shalt  }
0x46: {  	_ =	shalt  }
0x47: {  	_ =	shalt  }
0x48: {  	_ =	shalt  }
0x49: {  	_ =	shalt  }
0x4a: {  	_ =	shalt  }
0x4b: {  	_ =	shalt  }
0x4c: {  	_ =	shalt  }
0x4d: {  	_ =	shalt  }
0x4e: {  	_ =	shalt  }
0x4f: {  	_ =	shalt  }
0x50: {  	_ =	shalt  }
0x51: {  	_ =	shalt  }
0x52: {  	_ =	shalt  }
0x53: {  	_ =	shalt  }
0x54: {  	_ =	shalt  }
0x55: {  	_ =	shalt  }
0x56: {  	_ =	shalt  }
0x57: {  	_ =	shalt  }
0x58: {  	_ =	shalt  }
0x59: {  	_ =	shalt  }
0x5a: {  	_ =	shalt  }
0x5b: {  	_ =	shalt  }
0x5c: {  	_ =	shalt  }
0x5d: {  	_ =	shalt  }
0x5e: {  	_ =	shalt  }
0x5f: {  	_ =	shalt  }
0x60: {  	_ =	shalt  }
0x61: {  	_ =	shalt  }
0x62: {  	_ =	shalt  }
0x63: {  	_ =	shalt  }
0x64: {  	_ =	shalt  }
0x65: {  	_ =	shalt  }
0x66: {  	_ =	shalt  }
0x67: {  	_ =	shalt  }
0x68: {  	_ =	shalt  }
0x69: {  	_ =	shalt  }
0x6a: {  	_ =	shalt  }
0x6b: {  	_ =	shalt  }
0x6c: {  	_ =	shalt  }
0x6d: {  	_ =	shalt  }
0x6e: {  	_ =	shalt  }
0x6f: {  	_ =	shalt  }
0x70: {  	_ =	shalt  }
0x71: {  	_ =	shalt  }
0x72: {  	_ =	shalt  }
0x73: {  	_ =	shalt  }
0x74: {  	_ =	shalt  }
0x75: {  	_ =	shalt  }
0x76: {  	_ =	shalt  }
0x77: {  	_ =	shalt  }
0x78: {  	_ =	shalt  }
0x79: {  	_ =	shalt  }
0x7a: {  	_ =	shalt  }
0x7b: {  	_ =	shalt  }
0x7c: {  	_ =	shalt  }
0x7d: {  	_ =	shalt  }
0x7e: {  	_ =	shalt  }
0x7f: {  	_ =	shalt  }
0x80: {  	_ =	shalt  }
0x81: {  	_ =	shalt  }
0x82: {  	_ =	shalt  }
0x83: {  	_ =	shalt  }
0x84: {  	_ =	shalt  }
0x85: {  	_ =	shalt  }
0x86: {  	_ =	shalt  }
0x87: {  	_ =	shalt  }
.Lfunc_end0:
.L_simem_size_0:
called_computation_lowered:
.L_overlay_start_0:
0x88: {  	s2 =	sld [smem:$0x3FD9]  }
0x89: {  	s3 =	sld [smem:$0x3FFE];
	_ =	sdelay $0x1  }
0x8a: {  	s1 =	srdreg.scid  }
0x8b: {  	s0 =	sand.u32 $0x1, s1  }
0x8c: {  	s17 =	sshll.u32 s0, $0xA;
	s2 =	sadd.s32 s3, s2  }
0x8d: {  	s2 =	sadd.s32 s2, s17  }
0x8e: {  	[smem:$0x3FBE] =	sst s2  }
0x8f: {  	_ = 	snop  }
0x90: {  	s2 =	sld [smem:$0x3FC8]  }
0x91: {  	s18 =	sld [smem:$0x3FC7];
	(tm) =	ssettm $0x1  }
0x92: {  	s4 =	sld [smem:$0x3FFB];
	_ =	sdelay $0x3  }
0x93: {  	_ =	strace s4  }
0x94: {  	s4 =	sld [smem:$0x3FFC];
	_ =	sdelay $0x3  }
0x95: {  	_ =	strace s4  }
0x96: {  	s4 =	sld [smem:$0x3FFD];
	_ =	sdelay $0x3  }
0x97: {  	_ =	strace s4  }
0x98: {  	_ =	strace $0x8FFFFFFF  }
0x99: {  	s19 =	sld [smem:$0x3FDB];
	_ =	sdelay $0x1  }
0x9a: {  	s5 =	simm.s32 $_scs_section_size  }
0x9b: {  	s6 =	simm.s32 $_size__tile_overlayer_lowered;
	s7 =	simm.s32 $_tile_overlayer_lowered  }
0x9c: {  	s22 =	simm.s32 $0x1BFF;
	s21 =	sshll.u32 s7, $0x1;
	s4 =	sadd.s32 s5, s19  }
0x9d: {  	s8 =	simm.s32 $0x0;
	s20 =	sshll.u32 s6, $0x1;
	s6 =	sadd.s32 s21, s4  }
0x9e: {  	[timem:s8], [sflag:s22] =	dma.local [hbm:s6], s20  }
0x9f: {  	_ =	swait.ge [sflag:s22], s20  }
0xa0: {  	s5 =	ssub.s32 $0x0, s20;
	[sflag:s22] =	ssyncset.done $0x0  }
0xa1: {  	[sflag:s22] =	ssyncadd.s32 s5;
	_ =	sdelay $0x1  }
0xa2: {  	s23 =	simm.s32 $0x1B8B  }
0xa3: {  	_ =	swait.ge [sflag:s23], $0x1  }
0xa4: {  	[sflag:s23] =	ssyncset.done $0x0  }
0xa5: {  	s25 =	simm.s32 $0x1B8E;
	s24 =	sld [smem:$0x3FFE];
	[sflag:s23] =	ssyncadd.s32 $0xFFFFFFFF  }
0xa6: {  	s26 =	simm.s32 $execute0_lowered;
	[smem:$0x3FD2] =	sst s25  }
0xa7: {  	s6 =	sshll.u32 s26, $0x1;
	_ =	strace $0x80000046;
	[dreg:$0x1] =	wrdreg $0xFFFFFFFF  }
0xa8: {  	s28 =	simm.s32 $_size_execute0_lowered;
	s4 =	sadd.s32 s4, s6;
	[dreg:$0x0] =	wrdreg $0x0  }
0xa9: {  	s6 =	sshll.u32 s28, $0x1;
	[dreg:$0x2] =	wrdreg s4  }
0xaa: {  	[dreg:$0x3] =	wrdreg s6  }
0xab: {  	[dreg:$0x4] =	wrdreg $0xC0  }
0xac: {  	_ =	task [dreg:s8], $0x5FFFF  }
0xad: {  	[dreg:$0x1] =	wrdreg $0xFFFFFFFF  }
0xae: {  	[dreg:$0x0] =	wrdreg $0x60  }
0xaf: {  	[dreg:$0x2] =	wrdreg s2  }
0xb0: {  	[dreg:$0x3] =	wrdreg s18  }
0xb1: {  	[dreg:$0x4] =	wrdreg s24  }
0xb2: {  	[dreg:$0x5] =	wrdreg $0x9  }
0xb3: {  	_ =	task.clear_ibuf [dreg:s8], $0x6FFFF;
	_ =	strace $0x90000046  }
0xb4: {  	s29 =	simm.s32 $0x9;
	_ =	strace $0x80000048  }
0xb5: {  	_ =	swait.ge [sflag:s29], $0x1  }
0xb6: {  	[sflag:s29] =	ssyncadd.s32 $0xFFFFFFFF  }
0xb7: {  	_ =	strace $0x90000048  }
0xb8: {  	_ =	sfence  }
0xb9: {  	s30 =	sld [smem:$0x0];
	_ =	sdelay $0x2  }
0xba: {  	s31 =	sshll.u32 s1, $0xD;
	s1 =	sshrl.u32 s1, $0x2  }
0xbb: {  	s3 =	sand.u32 $0x4000, s31;
	s1 =	sadd.s32 s1, s30  }
0xbc: {  	s0 =	sor.u32 s3, s0;
	s1 =	sshll.u32 s1, $0x11  }
0xbd: {  	s0 =	sor.u32 s1, s0  }
0xbe: {  	s0 =	sadd.s32 $0x8F2B, s0  }
0xbf: {  	[sflag:s0] =	ssyncadd.remote.s32 $0x1  }
0xc0: {  	_ =	sfence.sel $0xFFFF  }
0xc1: {  	[dreg:$0x0] =	wrdreg $0xFFFFFFFF;
	(pc) =	sbr.abs _section_cstart, $3  }
0xc2: {  	[dreg:$0x1] =	wrdreg $0xFFFFFFFF  }
0xc3: {  	_ =	task.clear_ibuf [dreg:s8], $0x2FFFF;
	_ =	strace $0x9FFFFFFF  }
0xc4: {  	(tm) =	ssettm $0x7FFFFFFF  }
0xc5: {  	_ =	shalt  }
tec
execute0_lowered:
.L_overlay_start_1:
0x0: {  	(tag) =	ssettag $0x1  }
0x1: {  	s0 =	rddreg [dreg:$0x0]  }
0x2: {  	s1 =	srdreg.scid;
	s26 =	stileid.u32  }
0x3: {  	s3 =	rddreg [dreg:$0x1];
	s1 =	sand.u32 $0x1, s1;
	s2 =	sshll.u32 s26, $0x1  }
0x4: {  	s23 =	rddreg [dreg:$0x2];
	s4 =	sor.u32 s1, s2  }
0x5: {  	[dreg:$0x4] =	wrdreg s0;
	s2 =	simm.s32 $0x0;
	s4 =	smul.u32 $0x270, s4  }
0x6: {  	[smem:$0x7FF] =	sst s2  }
0x7: {  	s5 =	sadd.s32 $0x5DC00, s23;
	_ =	strace $0x80000047;
	s24 =	sshrl.u32 s4, $0x3  }
0x8: {  	[dreg:$0x5] =	wrdreg s5;
	s4 =	sadd.s32 s3, s24;
	s3 =	simm.s32 $0x2  }
0x9: {  	[tilespmem:s2], [sflag:$0x2] =	stream.linear.gather [hbm4b:s4+s2], $0x270, $0x38;
	[tilespmem:$0x1880] =	vst v63  }
0xa: {  	_ =	swait.ge [sflag:s3], $0x270  }
0xb: {  	s6 =	simm.s32 $0x280;
	s7 =	simm.s32 $0x1;
	[sflag:s3] =	ssyncset.done $0x0  }
0xc: {  	s5 =	simm.s32 $0x270;
	s8 =	rddreg [dreg:$0x4];
	[sflag:s3] =	ssyncadd.s32 $0xFFFFFD90  }
0xd: {  	[tilespmem:s6], [sflag:$0x1] =	stream.indirect.gather [hbm4b:s8+s5], $0x1, s2, s5, $0xb8;
	[tilespmem:$0x1880] =	vst v63  }
0xe: {  	_ =	swait.ge [sflag:s7], $0x270  }
0xf: {  	[sflag:s7] =	ssyncset.done $0x0  }
0x10: {  	s8 =	simm.s32 $0x500;
	s9 =	rddreg [dreg:$0x5];
	[sflag:s7] =	ssyncadd.s32 $0xFFFFFD90  }
0x11: {  	[tilespmem:s8], [sflag:$0x1] =	stream.indirect.gather [hbm4b:s9+s5], $0x1, s6, s5, $0xb8;
	[tilespmem:$0x1880] =	vst v63  }
0x12: {  	s10 =	simm.s32 $0x770;
	s9 =	sadd.s32 $0x7C600, s23  }
0x13: {  	[tilespmem:s10], [sflag:$0x1] =	stream.indirect.gather [hbm4b:s9+s5], $0x1, s6, s5, $0xb8;
	[tilespmem:$0x1880] =	vst v63  }
0x14: {  	s12 =	simm.s32 $0x9E0;
	s11 =	sadd.s32 $0x9B000, s23  }
0x15: {  	[tilespmem:s12], [sflag:$0x1] =	stream.indirect.gather [hbm4b:s11+s5], $0x1, s6, s5, $0xb8;
	[tilespmem:$0x1880] =	vst v63  }
0x16: {  	s14 =	simm.s32 $0xC50;
	s13 =	sadd.s32 $0xB9A00, s23  }
0x17: {  	[tilespmem:s14], [sflag:$0x1] =	stream.indirect.gather [hbm4b:s13+s5], $0x1, s6, s5, $0xb8;
	[tilespmem:$0x1880] =	vst v63  }
0x18: {  	s16 =	simm.s32 $0xEC0;
	s15 =	sadd.s32 $0xD8400, s23  }
0x19: {  	[tilespmem:s16], [sflag:$0x1] =	stream.indirect.gather [hbm4b:s15+s5], $0x1, s6, s5, $0xb8;
	[tilespmem:$0x1880] =	vst v63  }
0x1a: {  	s18 =	simm.s32 $0x1130;
	s17 =	sadd.s32 $0x1E00, s23  }
0x1b: {  	[tilespmem:s18], [sflag:$0x1] =	stream.indirect.gather [hbm4b:s17+s5], $0x1, s6, s5, $0xb8;
	[tilespmem:$0x1880] =	vst v63  }
0x1c: {  	s20 =	simm.s32 $0x13A0;
	s19 =	sadd.s32 $0x20800, s23  }
0x1d: {  	[tilespmem:s20], [sflag:$0x1] =	stream.indirect.gather [hbm4b:s19+s5], $0x1, s6, s5, $0xb8;
	[tilespmem:$0x1880] =	vst v63  }
0x1e: {  	s22 =	simm.s32 $0x1610;
	s21 =	sadd.s32 $0x3F200, s23  }
0x1f: {  	[tilespmem:s22], [sflag:$0x1] =	stream.indirect.gather [hbm4b:s21+s5], $0x1, s6, s5, $0xb8;
	[tilespmem:$0x1880] =	vst v63  }
0x20: {  	_ =	swait.ge [sflag:s7], $0x270  }
0x21: {  	[sflag:s7] =	ssyncset.done $0x0  }
0x22: {  	[sflag:s7] =	ssyncadd.s32 $0xFFFFFD90  }
0x23: {  	_ =	swait.ge [sflag:s7], $0x270  }
0x24: {  	[sflag:s7] =	ssyncset.done $0x0  }
0x25: {  	[sflag:s7] =	ssyncadd.s32 $0xFFFFFD90  }
0x26: {  	_ =	swait.ge [sflag:s7], $0x270  }
0x27: {  	[sflag:s7] =	ssyncset.done $0x0  }
0x28: {  	[sflag:s7] =	ssyncadd.s32 $0xFFFFFD90  }
0x29: {  	_ =	swait.ge [sflag:s7], $0x270  }
0x2a: {  	[sflag:s7] =	ssyncset.done $0x0  }
0x2b: {  	[sflag:s7] =	ssyncadd.s32 $0xFFFFFD90  }
0x2c: {  	_ =	swait.ge [sflag:s7], $0x270  }
0x2d: {  	[sflag:s7] =	ssyncset.done $0x0  }
0x2e: {  	[sflag:s7] =	ssyncadd.s32 $0xFFFFFD90  }
0x2f: {  	_ =	swait.ge [sflag:s7], $0x270  }
0x30: {  	[sflag:s7] =	ssyncset.done $0x0  }
0x31: {  	[sflag:s7] =	ssyncadd.s32 $0xFFFFFD90  }
0x32: {  	_ =	swait.ge [sflag:s7], $0x270  }
0x33: {  	[sflag:s7] =	ssyncset.done $0x0  }
0x34: {  	[sflag:s7] =	ssyncadd.s32 $0xFFFFFD90  }
0x35: {  	_ =	swait.ge [sflag:s7], $0x270  }
0x36: {  	s31 =	sadd.s32 s24, s23;
	[sflag:s7] =	ssyncset.done $0x0  }
0x37: {  	s23 =	sadd.s32 $0xF6E00, s31;
	[sflag:s7] =	ssyncadd.s32 $0xFFFFFD90  }
0x38: {  	[hbm4b:s23+s2] =	stream.linear.scatter [tilespmem:s8], [sflag:$0x2], $0x270, $0x38;
	[tilespmem:$0x1880] =	vst v63  }
0x39: {  	_ =	swait.ge [sflag:s3], $0x270  }
0x3a: {  	[sflag:s3] =	ssyncset.done $0x0  }
0x3b: {  	s24 =	sadd.s32 $0xF77C0, s31;
	[sflag:s3] =	ssyncadd.s32 $0xFFFFFD90  }
0x3c: {  	[hbm4b:s24+s2] =	stream.linear.scatter [tilespmem:s10], [sflag:$0x2], $0x270, $0x38;
	[tilespmem:$0x1880] =	vst v63  }
0x3d: {  	_ =	swait.ge [sflag:s3], $0x270  }
0x3e: {  	[sflag:s3] =	ssyncset.done $0x0  }
0x3f: {  	s25 =	sadd.s32 $0xF8180, s31;
	[sflag:s3] =	ssyncadd.s32 $0xFFFFFD90  }
0x40: {  	[hbm4b:s25+s2] =	stream.linear.scatter [tilespmem:s12], [sflag:$0x2], $0x270, $0x38;
	[tilespmem:$0x1880] =	vst v63  }
0x41: {  	_ =	swait.ge [sflag:s3], $0x270  }
0x42: {  	[sflag:s3] =	ssyncset.done $0x0  }
0x43: {  	s26 =	sadd.s32 $0xF8B40, s31;
	[sflag:s3] =	ssyncadd.s32 $0xFFFFFD90  }
0x44: {  	[hbm4b:s26+s2] =	stream.linear.scatter [tilespmem:s14], [sflag:$0x2], $0x270, $0x38;
	[tilespmem:$0x1880] =	vst v63  }
0x45: {  	_ =	swait.ge [sflag:s3], $0x270  }
0x46: {  	[sflag:s3] =	ssyncset.done $0x0  }
0x47: {  	s28 =	sadd.s32 $0xF9500, s31;
	[sflag:s3] =	ssyncadd.s32 $0xFFFFFD90  }
0x48: {  	[hbm4b:s28+s2] =	stream.linear.scatter [tilespmem:s16], [sflag:$0x2], $0x270, $0x38;
	[tilespmem:$0x1880] =	vst v63  }
0x49: {  	_ =	swait.ge [sflag:s3], $0x270  }
0x4a: {  	[sflag:s3] =	ssyncset.done $0x0  }
0x4b: {  	s1 =	ssub.s32 $0x2, s1;
	s29 =	sadd.s32 $0xF9EC0, s31;
	[sflag:s3] =	ssyncadd.s32 $0xFFFFFD90  }
0x4c: {  	[hbm4b:s29+s2] =	stream.linear.scatter [tilespmem:s18], [sflag:$0x2], $0x270, $0x38;
	[tilespmem:$0x1880] =	vst v63  }
0x4d: {  	s0 =	sshrl.u32 s1, $0x1;
	_ =	swait.ge [sflag:s3], $0x270  }
0x4e: {  	s0 =	ssub.s32 s1, s0;
	[sflag:s3] =	ssyncset.done $0x0  }
0x4f: {  	s0 =	smax.u32 s0, $0x1;
	s30 =	sadd.s32 $0xFA880, s31;
	[sflag:s3] =	ssyncadd.s32 $0xFFFFFD90  }
0x50: {  	[hbm4b:s30+s2] =	stream.linear.scatter [tilespmem:s20], [sflag:$0x2], $0x270, $0x38;
	[tilespmem:$0x1880] =	vst v63  }
0x51: {  	p0 =	sne.s32 s0, $0x1;
	_ =	swait.ge [sflag:s3], $0x270  }
.Ltmp0:
0x52: {  	[sflag:s3] =	ssyncset.done $0x0;
	(pc) =	sbr.rel @!p0 .LBB2_2-.Ltmp0, $4  }
0x53: {  	s31 =	sadd.s32 $0xFB240, s31;
	[sflag:s3] =	ssyncadd.s32 $0xFFFFFD90  }
0x54: {  	[hbm4b:s31+s2] =	stream.linear.scatter [tilespmem:s22], [sflag:$0x2], $0x270, $0x38;
	[tilespmem:$0x1880] =	vst v63  }
0x55: {  	_ =	swait.ge [sflag:s3], $0x270  }
0x56: {  	s1 =	sadd.s32 $0xFFFFFFFF, s0;
	[sflag:s3] =	ssyncset.done $0x0  }
.LBB2_1:
0x57: {  	[sflag:s3] =	ssyncadd.s32 $0xFFFFFD90  }
0x58: {  	[tilespmem:s2], [sflag:$0x2] =	stream.linear.gather [hbm4b:s4+s2], $0x270, $0x38;
	[tilespmem:$0x1880] =	vst v63  }
0x59: {  	_ =	swait.ge [sflag:s3], $0x270  }
0x5a: {  	[sflag:s3] =	ssyncset.done $0x0  }
0x5b: {  	s0 =	rddreg [dreg:$0x4];
	[sflag:s3] =	ssyncadd.s32 $0xFFFFFD90  }
0x5c: {  	[tilespmem:s6], [sflag:$0x1] =	stream.indirect.gather [hbm4b:s0+s5], $0x1, s2, s5, $0xb8;
	[tilespmem:$0x1880] =	vst v63  }
0x5d: {  	_ =	swait.ge [sflag:s7], $0x270  }
0x5e: {  	[sflag:s7] =	ssyncset.done $0x0  }
0x5f: {  	s0 =	rddreg [dreg:$0x5];
	[sflag:s7] =	ssyncadd.s32 $0xFFFFFD90  }
0x60: {  	[tilespmem:s8], [sflag:$0x1] =	stream.indirect.gather [hbm4b:s0+s5], $0x1, s6, s5, $0xb8;
	[tilespmem:$0x1880] =	vst v63  }
0x61: {  	_ = 	snop  }
0x62: {  	[tilespmem:s10], [sflag:$0x1] =	stream.indirect.gather [hbm4b:s9+s5], $0x1, s6, s5, $0xb8;
	[tilespmem:$0x1880] =	vst v63  }
0x63: {  	_ = 	snop  }
0x64: {  	[tilespmem:s12], [sflag:$0x1] =	stream.indirect.gather [hbm4b:s11+s5], $0x1, s6, s5, $0xb8;
	[tilespmem:$0x1880] =	vst v63  }
0x65: {  	_ = 	snop  }
0x66: {  	[tilespmem:s14], [sflag:$0x1] =	stream.indirect.gather [hbm4b:s13+s5], $0x1, s6, s5, $0xb8;
	[tilespmem:$0x1880] =	vst v63  }
0x67: {  	_ = 	snop  }
0x68: {  	[tilespmem:s16], [sflag:$0x1] =	stream.indirect.gather [hbm4b:s15+s5], $0x1, s6, s5, $0xb8;
	[tilespmem:$0x1880] =	vst v63  }
0x69: {  	_ = 	snop  }
0x6a: {  	[tilespmem:s18], [sflag:$0x1] =	stream.indirect.gather [hbm4b:s17+s5], $0x1, s6, s5, $0xb8;
	[tilespmem:$0x1880] =	vst v63  }
0x6b: {  	_ = 	snop  }
0x6c: {  	[tilespmem:s20], [sflag:$0x1] =	stream.indirect.gather [hbm4b:s19+s5], $0x1, s6, s5, $0xb8;
	[tilespmem:$0x1880] =	vst v63  }
0x6d: {  	_ = 	snop  }
0x6e: {  	[tilespmem:s22], [sflag:$0x1] =	stream.indirect.gather [hbm4b:s21+s5], $0x1, s6, s5, $0xb8;
	[tilespmem:$0x1880] =	vst v63  }
0x6f: {  	_ =	swait.ge [sflag:s7], $0x270  }
0x70: {  	[sflag:s7] =	ssyncset.done $0x0  }
0x71: {  	[sflag:s7] =	ssyncadd.s32 $0xFFFFFD90  }
0x72: {  	_ =	swait.ge [sflag:s7], $0x270  }
0x73: {  	[sflag:s7] =	ssyncset.done $0x0  }
0x74: {  	[sflag:s7] =	ssyncadd.s32 $0xFFFFFD90  }
0x75: {  	_ =	swait.ge [sflag:s7], $0x270  }
0x76: {  	[sflag:s7] =	ssyncset.done $0x0  }
0x77: {  	[sflag:s7] =	ssyncadd.s32 $0xFFFFFD90  }
0x78: {  	_ =	swait.ge [sflag:s7], $0x270  }
0x79: {  	[sflag:s7] =	ssyncset.done $0x0  }
0x7a: {  	[sflag:s7] =	ssyncadd.s32 $0xFFFFFD90  }
0x7b: {  	_ =	swait.ge [sflag:s7], $0x270  }
0x7c: {  	[sflag:s7] =	ssyncset.done $0x0  }
0x7d: {  	[sflag:s7] =	ssyncadd.s32 $0xFFFFFD90  }
0x7e: {  	_ =	swait.ge [sflag:s7], $0x270  }
0x7f: {  	[sflag:s7] =	ssyncset.done $0x0  }
0x80: {  	[sflag:s7] =	ssyncadd.s32 $0xFFFFFD90  }
0x81: {  	_ =	swait.ge [sflag:s7], $0x270  }
0x82: {  	[sflag:s7] =	ssyncset.done $0x0  }
0x83: {  	[sflag:s7] =	ssyncadd.s32 $0xFFFFFD90  }
0x84: {  	_ =	swait.ge [sflag:s7], $0x270  }
0x85: {  	[sflag:s7] =	ssyncset.done $0x0  }
0x86: {  	[sflag:s7] =	ssyncadd.s32 $0xFFFFFD90  }
0x87: {  	[hbm4b:s23+s2] =	stream.linear.scatter [tilespmem:s8], [sflag:$0x2], $0x270, $0x38;
	[tilespmem:$0x1880] =	vst v63  }
0x88: {  	_ =	swait.ge [sflag:s3], $0x270  }
0x89: {  	[sflag:s3] =	ssyncset.done $0x0  }
0x8a: {  	[sflag:s3] =	ssyncadd.s32 $0xFFFFFD90  }
0x8b: {  	[hbm4b:s24+s2] =	stream.linear.scatter [tilespmem:s10], [sflag:$0x2], $0x270, $0x38;
	[tilespmem:$0x1880] =	vst v63  }
0x8c: {  	_ =	swait.ge [sflag:s3], $0x270  }
0x8d: {  	[sflag:s3] =	ssyncset.done $0x0  }
0x8e: {  	[sflag:s3] =	ssyncadd.s32 $0xFFFFFD90  }
0x8f: {  	[hbm4b:s25+s2] =	stream.linear.scatter [tilespmem:s12], [sflag:$0x2], $0x270, $0x38;
	[tilespmem:$0x1880] =	vst v63  }
0x90: {  	_ =	swait.ge [sflag:s3], $0x270  }
0x91: {  	[sflag:s3] =	ssyncset.done $0x0  }
0x92: {  	[sflag:s3] =	ssyncadd.s32 $0xFFFFFD90  }
0x93: {  	[hbm4b:s26+s2] =	stream.linear.scatter [tilespmem:s14], [sflag:$0x2], $0x270, $0x38;
	[tilespmem:$0x1880] =	vst v63  }
0x94: {  	_ =	swait.ge [sflag:s3], $0x270  }
0x95: {  	[sflag:s3] =	ssyncset.done $0x0  }
0x96: {  	[sflag:s3] =	ssyncadd.s32 $0xFFFFFD90  }
0x97: {  	[hbm4b:s28+s2] =	stream.linear.scatter [tilespmem:s16], [sflag:$0x2], $0x270, $0x38;
	[tilespmem:$0x1880] =	vst v63  }
0x98: {  	_ =	swait.ge [sflag:s3], $0x270  }
0x99: {  	[sflag:s3] =	ssyncset.done $0x0  }
0x9a: {  	[sflag:s3] =	ssyncadd.s32 $0xFFFFFD90  }
0x9b: {  	[hbm4b:s29+s2] =	stream.linear.scatter [tilespmem:s18], [sflag:$0x2], $0x270, $0x38;
	[tilespmem:$0x1880] =	vst v63  }
0x9c: {  	_ =	swait.ge [sflag:s3], $0x270  }
0x9d: {  	[sflag:s3] =	ssyncset.done $0x0  }
0x9e: {  	[sflag:s3] =	ssyncadd.s32 $0xFFFFFD90  }
0x9f: {  	[hbm4b:s30+s2] =	stream.linear.scatter [tilespmem:s20], [sflag:$0x2], $0x270, $0x38;
	[tilespmem:$0x1880] =	vst v63  }
0xa0: {  	p0 =	sne.s32 s1, $0x1;
	_ =	swait.ge [sflag:s3], $0x270  }
.Ltmp1:
0xa1: {  	[sflag:s3] =	ssyncset.done $0x0;
	(pc) =	sbr.rel @p0 .LBB2_1-.Ltmp1, $4  }
0xa2: {  	[sflag:s3] =	ssyncadd.s32 $0xFFFFFD90  }
0xa3: {  	[hbm4b:s31+s2] =	stream.linear.scatter [tilespmem:s22], [sflag:$0x2], $0x270, $0x38;
	[tilespmem:$0x1880] =	vst v63  }
0xa4: {  	_ =	swait.ge [sflag:s3], $0x270  }
0xa5: {  	s1 =	sadd.s32 $0xFFFFFFFF, s1;
	[sflag:s3] =	ssyncset.done $0x0  }
.LBB2_2:
0xa6: {  	[sflag:s3] =	ssyncadd.s32 $0xFFFFFD90  }
0xa7: {  	_ =	sfence.sel $0x180000  }
0xa8: {  	[bflag:$0x0] =	sbarrier.arrive $0xFFFF  }
0xa9: {  	_ =	strace $0x90000047  }
0xaa: {  	s0 =	stileid.u32;
	[bflag:$0x2] =	sbarrier.arrive $0xFFFF  }
0xab: {  	p0 =	sne.s32 s0, $0x0;
	s0 =	rddreg [dreg:$0x3]  }
0xac: {  	s0 =	sadd.s32 @!p0 $0x100000, s0  }
0xad: {  	[sflag:s0] =	ssyncadd.tile.s32 @!p0 $0x1;
	_ =	shalt  }
.Lfunc_end2:
_tile_overlayer_lowered:
.L_overlay_start_2:
0xae: {  	(tag) =	ssettag $0x2  }
0xaf: {  	s0 =	rddreg [dreg:$0x0];
	s2 =	stileid.u32  }
0xb0: {  	s1 =	rddreg [dreg:$0x1];
	p0 =	sne.s32 s2, $0x0  }
0xb1: {  	s3 =	rddreg [dreg:$0x2];
	[bflag:$0x3] =	sbarrier.arrive $0xFFFF;
	s2 =	simm.s32 @!p0 $0x1C02  }
0xb2: {  	[timem:s3], [sflag:s2] =	dma.local @!p0 [hbm:s0], s1  }
0xb3: {  	s0 =	simm.s32 @!p0 $0x2  }
0xb4: {  	_ =	swait.ge @!p0 [sflag:s0], s1  }
0xb5: {  	s1 =	ssub.s32 @!p0 $0x0, s1;
	[sflag:s0] =	ssyncset.done @!p0 $0x0  }
0xb6: {  	[sflag:s0] =	ssyncadd.s32 @!p0 s1  }
0xb7: {  	[bflag:$0x3] =	sbarrier.arrive $0xFFFF  }
0xb8: {  	_ =	shalt  }

</sc_bundles>
